<compile_context>
chip_gen: v7x
topology: tpu7x:2x2x1
jax: 0.10.2.dev20260603
libtpu: 0.0.44.dev20260713+nightly
codegen_flags: <defaults>
</compile_context>

<pallas_src>
import functools

import jax
import jax.numpy as jnp
from jax import lax
from jax.experimental import pallas as pl
from jax.experimental.pallas import tpu as pltpu
from jax.experimental.pallas import tpu_sc as plsc

_K = 100000
_D = 128
_B = 16384
_NC = 2
_NS = 16
_NW = _NC * _NS
_ROWS = _B // _NW
_G = 16
_NGRP = _ROWS // _G


def _xbm_body(params_hbm, feats_hbm, tcat_hbm, fmem_hbm, tmcat_hbm,
              outf_hbm, outt_hbm,
              params_v, fbuf, tlobuf, thibuf, mstage, tstage,
              sem, sem2, sem3):
    wid = lax.axis_index("s") * _NC + lax.axis_index("c")
    base = wid * _ROWS
    dst = pl.multiple_of(base, _ROWS)
    half = _ROWS // 2
    dst1 = pl.multiple_of(base + half, half)

    a0 = pltpu.async_copy(feats_hbm.at[pl.ds(dst, half)],
                          fbuf.at[pl.ds(0, half)], sem)
    a1 = pltpu.async_copy(feats_hbm.at[pl.ds(dst1, half)],
                          fbuf.at[pl.ds(half, half)], sem2)
    t0 = pltpu.async_copy(tcat_hbm.at[pl.ds(dst, _ROWS)], tlobuf, sem3)
    t1 = pltpu.async_copy(tcat_hbm.at[pl.ds(_B + dst, _ROWS)], thibuf, sem3)

    pltpu.sync_copy(params_hbm, params_v)
    pv = params_v[...]
    ws = pv[0]
    os_ = pv[1]
    g0 = os_ + base

    spec_ok = ws == os_

    full_f = jnp.logical_and(g0 >= ws, g0 + _ROWS <= ws + _B)
    full_m = jnp.logical_or(g0 + _ROWS <= ws, g0 >= ws + _B)
    src_f = g0 - ws
    case_a = jnp.logical_and(
        jnp.logical_and(full_f, src_f % _ROWS == 0),
        jnp.logical_not(spec_ok))
    case_b = jnp.logical_and(full_m, g0 % _ROWS == 0)
    case_c = jnp.logical_not(jnp.logical_or(
        jnp.logical_or(case_a, case_b), spec_ok))

    @pl.when(spec_ok)
    def _():
        a0.wait()
        o0 = pltpu.async_copy(fbuf.at[pl.ds(0, half)],
                              outf_hbm.at[pl.ds(dst, half)], sem)
        a1.wait()
        o1 = pltpu.async_copy(fbuf.at[pl.ds(half, half)],
                              outf_hbm.at[pl.ds(dst1, half)], sem2)
        t0.wait()
        t1.wait()
        ot0 = pltpu.async_copy(tlobuf, outt_hbm.at[pl.ds(dst, _ROWS)], sem3)
        ot1 = pltpu.async_copy(thibuf, outt_hbm.at[pl.ds(_B + dst, _ROWS)], sem3)
        o0.wait()
        o1.wait()
        ot0.wait()
        ot1.wait()

    @pl.when(jnp.logical_not(spec_ok))
    def _():
        a0.wait()
        a1.wait()
        t0.wait()
        t1.wait()

    @pl.when(case_a)
    def _():
        src = pl.multiple_of(src_f, _ROWS)
        pltpu.sync_copy(feats_hbm.at[pl.ds(src, _ROWS)], fbuf)
        pltpu.sync_copy(tcat_hbm.at[pl.ds(src, _ROWS)], tlobuf)
        pltpu.sync_copy(tcat_hbm.at[pl.ds(_B + src, _ROWS)], thibuf)

    @pl.when(case_b)
    def _():
        src = pl.multiple_of(g0, _ROWS)
        pltpu.sync_copy(fmem_hbm.at[pl.ds(src, _ROWS)], fbuf)
        pltpu.sync_copy(tmcat_hbm.at[pl.ds(src, _ROWS)], tlobuf)
        pltpu.sync_copy(tmcat_hbm.at[pl.ds(_K + src, _ROWS)], thibuf)

    @pl.when(case_c)
    def _():
        iota = lax.iota(jnp.int32, 16)

        def group(gi, carry):
            off = gi * _G
            c0 = g0 + off
            gvec = c0 + iota
            validv = jnp.logical_and(gvec >= ws, gvec < ws + _B)
            fidx = jnp.clip(gvec - ws, 0, _B - 1)

            pltpu.async_copy(feats_hbm.at[fidx],
                             fbuf.at[pl.ds(off, _G)], sem).wait()
            pltpu.async_copy(fmem_hbm.at[gvec], mstage, sem).wait()

            def fixrow(r, c2):
                g = c0 + r
                valid = jnp.logical_and(g >= ws, g < ws + _B)

                @pl.when(jnp.logical_not(valid))
                def _():
                    for jc in range(_D // 16):
                        fbuf[off + r, pl.ds(jc * 16, 16)] = (
                            mstage[r, pl.ds(jc * 16, 16)])

                return c2

            lax.fori_loop(jnp.int32(0), jnp.int32(_G), fixrow, jnp.int32(0))

            for pbase, mbase, pbuf in ((0, 0, tlobuf), (_B, _K, thibuf)):
                pltpu.async_copy(tcat_hbm.at[pbase + fidx],
                                 pbuf.at[pl.ds(off, _G)], sem).wait()
                pltpu.async_copy(tmcat_hbm.at[mbase + gvec], tstage,
                                 sem).wait()
                pbuf[pl.ds(off, _G)] = jnp.where(
                    validv, pbuf[pl.ds(off, _G)], tstage[...])

            return carry

        lax.fori_loop(jnp.int32(0), jnp.int32(_NGRP), group, jnp.int32(0))

    @pl.when(jnp.logical_not(spec_ok))
    def _():
        pltpu.sync_copy(fbuf, outf_hbm.at[pl.ds(dst, _ROWS)])
        pltpu.sync_copy(tlobuf, outt_hbm.at[pl.ds(dst, _ROWS)])
        pltpu.sync_copy(thibuf, outt_hbm.at[pl.ds(_B + dst, _ROWS)])


_xbm_call = functools.partial(
    pl.kernel,
    out_type=[
        jax.ShapeDtypeStruct((_B, _D), jnp.float32),
        jax.ShapeDtypeStruct((2 * _B,), jnp.int32),
    ],
    mesh=plsc.VectorSubcoreMesh(core_axis_name="c", subcore_axis_name="s"),
    compiler_params=pltpu.CompilerParams(needs_layout_passes=False),
    scratch_types=[
        pltpu.VMEM((16,), jnp.int32),
        pltpu.VMEM((_ROWS, _D), jnp.float32),
        pltpu.VMEM((_ROWS,), jnp.int32),
        pltpu.VMEM((_ROWS,), jnp.int32),
        pltpu.VMEM((_G, _D), jnp.float32),
        pltpu.VMEM((_G,), jnp.int32),
        pltpu.SemaphoreType.DMA,
        pltpu.SemaphoreType.DMA,
        pltpu.SemaphoreType.DMA,
    ],
)(_xbm_body)


def kernel(feats, targets, feats_mem, targets_mem, ptr, total_count):
    q = feats.shape[0]
    ptr32 = jnp.clip(ptr, 0, _K + 1).astype(jnp.int32)
    tc32 = jnp.clip(total_count, 0, _K + 200).astype(jnp.int32)
    wrap = ptr32 + q > _K
    write_start = jnp.where(wrap, _K - q, ptr32)
    write_start = jnp.clip(write_start, 0, _K - q)
    new_ptr = jnp.where(wrap, 0, ptr32 + q)
    is_full = tc32 + q >= _K
    out_start = jnp.where(is_full, 0, new_ptr - q)
    out_start = jnp.clip(out_start, 0, _K - q)

    params = jnp.stack([write_start, out_start]).astype(jnp.int32)
    params = jnp.pad(params, (0, 14))

    t64 = targets.reshape(q)
    t_cat = jnp.concatenate(
        [t64.astype(jnp.int32), (t64 >> 32).astype(jnp.int32)])

    def _tmem_slow(tm):
        tm = lax.optimization_barrier(tm).reshape(_K)
        return jnp.concatenate(
            [tm.astype(jnp.int32), (tm >> 32).astype(jnp.int32)])

    tm_cat = lax.cond(
        write_start == out_start,
        lambda tm: jnp.zeros((2 * _K,), jnp.int32),
        _tmem_slow,
        targets_mem)

    out_feats, out_cat = _xbm_call(params, feats, t_cat, feats_mem, tm_cat)
    out_targets = (
        (out_cat[_B:].astype(jnp.int64) << 32)
        | (out_cat[:_B].astype(jnp.int64) & jnp.int64(0xFFFFFFFF))
    ).reshape(q, 1)
    return (out_feats, out_targets)

# --- scband reference (transcript-rebuilt; emitter-appended) ---
"""Pipeline reference for scband-xbm-38062000177570 (READ-ONLY COPY).

The authoritative reference and input builder live on the scoring server;
editing this copy changes nothing except your own understanding.
"""

import jax, jax.numpy as jnp
import numpy as np
jax.config.update('jax_enable_x64', True)

K = 100000
D = 128
T = 1
B = 16384

def setup_inputs(seed: int = 0) -> dict:
    key = jax.random.key(seed)
    k1, k2 = jax.random.split(key)
    feats = jax.random.normal(k1, (B, D), dtype=jnp.float32)
    targets = jax.random.randint(k2, (B, T), 0, 1000, dtype=jnp.int64)
    # module buffers (state)
    feats_mem = jnp.zeros((K, D), dtype=jnp.float32)
    targets_mem = jnp.zeros((K, T), dtype=jnp.int64)
    ptr = jnp.array(0, dtype=jnp.int64)
    total_count = jnp.array(0, dtype=jnp.int64)
    return {'feats': feats, 'targets': targets, 'feats_mem': feats_mem,
            'targets_mem': targets_mem, 'ptr': ptr, 'total_count': total_count}

def reference(feats, targets, feats_mem, targets_mem, ptr, total_count):
    # XBM.forward with get_first=False: enqueue_dequeue(detach(feats), detach(targets)); return get()
    feats_d = jax.lax.stop_gradient(feats)
    targets_d = jax.lax.stop_gradient(targets)
    q = feats_d.shape[0]
    tc = jnp.minimum(total_count + q, K + 100)
    wrap = ptr + q > K
    write_start = jnp.where(wrap, jnp.int64(K - q), ptr)
    feats_mem = jax.lax.dynamic_update_slice(feats_mem, feats_d, (write_start, jnp.int64(0)))
    targets_mem = jax.lax.dynamic_update_slice(targets_mem, targets_d, (write_start, jnp.int64(0)))
    new_ptr = jnp.where(wrap, jnp.int64(0), ptr + q)
    is_full = tc >= K
    out_start = jnp.where(is_full, jnp.int64(0), new_ptr - q)
    out_feats = jax.lax.dynamic_slice(feats_mem, (out_start, jnp.int64(0)), (q, D))
    out_targets = jax.lax.dynamic_slice(targets_mem, (out_start, jnp.int64(0)), (q, T))
    return (out_feats, out_targets)

if __name__ == "__main__":
    import jax
    _d = setup_inputs()
    print(jax.jit(kernel)(*tuple(_d.values())))

</pallas_src>

<mosaic_0001>
#map = affine_map<(d0, d1) -> (0)>
#map1 = affine_map<(d0, d1) -> (0, 0)>
module attributes {stable_mosaic.version = 14 : i64} {
  func.func @_xbm_body(%arg0: i32, %arg1: i32, %arg2: memref<16xi32, #tpu.memory_space<hbm>>, %arg3: memref<16384x128xf32, #tpu.memory_space<hbm>>, %arg4: memref<32768xi32, #tpu.memory_space<hbm>>, %arg5: memref<100000x128xf32, #tpu.memory_space<hbm>>, %arg6: memref<200000xi32, #tpu.memory_space<hbm>>, %arg7: memref<16384x128xf32, #tpu.memory_space<hbm>>, %arg8: memref<32768xi32, #tpu.memory_space<hbm>>, %arg9: memref<16xi32, #tpu.memory_space<vmem>>, %arg10: memref<512x128xf32, #tpu.memory_space<vmem>>, %arg11: memref<512xi32, #tpu.memory_space<vmem>>, %arg12: memref<512xi32, #tpu.memory_space<vmem>>, %arg13: memref<16x128xf32, #tpu.memory_space<vmem>>, %arg14: memref<16xi32, #tpu.memory_space<vmem>>, %arg15: memref<!tpu.dma_semaphore, #tpu.memory_space<semaphore_mem>>, %arg16: memref<!tpu.dma_semaphore, #tpu.memory_space<semaphore_mem>>, %arg17: memref<!tpu.dma_semaphore, #tpu.memory_space<semaphore_mem>>) attributes {dimension_semantics = [#tpu.dimension_semantics<core_parallel>, #tpu.dimension_semantics<subcore_parallel>], iteration_bounds = array<i64: 2, 16>, scalar_prefetch = 0 : i64, scratch_operands = 9 : i64, tpu.core_type = #tpu.core_type<sc_vector_subcore>, window_params = [{transform_indices = #map}, {transform_indices = #map1}, {transform_indices = #map}, {transform_indices = #map1}, {transform_indices = #map}, {transform_indices = #map1}, {transform_indices = #map}]} {
    %mul3A = arith.constant 2 : i32
    %mul3A_0 = arith.muli %arg1, %mul3A : i32
    %add3A = arith.addi %mul3A_0, %arg0 : i32
    %mul3A_1 = arith.constant 512 : i32
    %mul3A_2 = arith.muli %add3A, %mul3A_1 : i32
    %multiple_of3A = tpu.assume_multiple %mul3A_2, 512 : i32
    %add3A_3 = arith.constant 256 : i32
    %add3A_4 = arith.addi %mul3A_2, %add3A_3 : i32
    %multiple_of3A_5 = tpu.assume_multiple %add3A_4, 256 : i32
    %dma_start3A = arith.constant 0 : i32
    %dma_start3A_6 = arith.constant 0 : i32
    %dma_start3A_7 = tpu.memref_slice %arg10[%dma_start3A, %dma_start3A_6] : memref<512x128xf32, #tpu.memory_space<vmem>> -> memref<256x128xf32, #tpu.memory_space<vmem>>
    %dma_start3A_8 = arith.constant 0 : i32
    %dma_start3A_9 = tpu.memref_slice %arg3[%multiple_of3A, %dma_start3A_8] : memref<16384x128xf32, #tpu.memory_space<hbm>> -> memref<256x128xf32, #tpu.memory_space<hbm>>
    %dma_start3A_10 = arith.constant 0 : i32
    %dma_start3A_11 = arith.constant 0 : i32
    %dma_start3A_12 = tpu.memref_slice %arg10[%dma_start3A_10, %dma_start3A_11] : memref<512x128xf32, #tpu.memory_space<vmem>> -> memref<256x128xf32, #tpu.memory_space<vmem>>
    %dma_start3A_13 = arith.constant 0 : i32
    %dma_start3A_14 = tpu.memref_slice %arg3[%multiple_of3A, %dma_start3A_13] : memref<16384x128xf32, #tpu.memory_space<hbm>> -> memref<256x128xf32, #tpu.memory_space<hbm>>
    tpu.enqueue_dma source(%dma_start3A_14 : memref<256x128xf32, #tpu.memory_space<hbm>>) target(%dma_start3A_12 : memref<256x128xf32, #tpu.memory_space<vmem>>) target_semaphore(%arg15 : memref<!tpu.dma_semaphore, #tpu.memory_space<semaphore_mem>>)
    %dma_start3A_15 = arith.constant 256 : i32
    %dma_start3A_16 = arith.constant 0 : i32
    %dma_start3A_17 = tpu.memref_slice %arg10[%dma_start3A_15, %dma_start3A_16] : memref<512x128xf32, #tpu.memory_space<vmem>> -> memref<256x128xf32, #tpu.memory_space<vmem>>
    %dma_start3A_18 = arith.constant 0 : i32
    %dma_start3A_19 = tpu.memref_slice %arg3[%multiple_of3A_5, %dma_start3A_18] : memref<16384x128xf32, #tpu.memory_space<hbm>> -> memref<256x128xf32, #tpu.memory_space<hbm>>
    %dma_start3A_20 = arith.constant 256 : i32
    %dma_start3A_21 = arith.constant 0 : i32
    %dma_start3A_22 = tpu.memref_slice %arg10[%dma_start3A_20, %dma_start3A_21] : memref<512x128xf32, #tpu.memory_space<vmem>> -> memref<256x128xf32, #tpu.memory_space<vmem>>
    %dma_start3A_23 = arith.constant 0 : i32
    %dma_start3A_24 = tpu.memref_slice %arg3[%multiple_of3A_5, %dma_start3A_23] : memref<16384x128xf32, #tpu.memory_space<hbm>> -> memref<256x128xf32, #tpu.memory_space<hbm>>
    tpu.enqueue_dma source(%dma_start3A_24 : memref<256x128xf32, #tpu.memory_space<hbm>>) target(%dma_start3A_22 : memref<256x128xf32, #tpu.memory_space<vmem>>) target_semaphore(%arg16 : memref<!tpu.dma_semaphore, #tpu.memory_space<semaphore_mem>>)
    %dma_start3A_25 = tpu.memref_slice %arg4[%multiple_of3A] : memref<32768xi32, #tpu.memory_space<hbm>> -> memref<512xi32, #tpu.memory_space<hbm>>
    %dma_start3A_26 = tpu.memref_slice %arg4[%multiple_of3A] : memref<32768xi32, #tpu.memory_space<hbm>> -> memref<512xi32, #tpu.memory_space<hbm>>
    tpu.enqueue_dma source(%dma_start3A_26 : memref<512xi32, #tpu.memory_space<hbm>>) target(%arg11 : memref<512xi32, #tpu.memory_space<vmem>>) target_semaphore(%arg17 : memref<!tpu.dma_semaphore, #tpu.memory_space<semaphore_mem>>)
    %add3A_27 = arith.constant 16384 : i32
    %add3A_28 = arith.addi %add3A_27, %multiple_of3A : i32
    %dma_start3A_29 = tpu.memref_slice %arg4[%add3A_28] : memref<32768xi32, #tpu.memory_space<hbm>> -> memref<512xi32, #tpu.memory_space<hbm>>
    %dma_start3A_30 = tpu.memref_slice %arg4[%add3A_28] : memref<32768xi32, #tpu.memory_space<hbm>> -> memref<512xi32, #tpu.memory_space<hbm>>
    tpu.enqueue_dma source(%dma_start3A_30 : memref<512xi32, #tpu.memory_space<hbm>>) target(%arg12 : memref<512xi32, #tpu.memory_space<vmem>>) target_semaphore(%arg17 : memref<!tpu.dma_semaphore, #tpu.memory_space<semaphore_mem>>)
    "tpu.region"() ({
      %run_scoped3A = tpu.sem_alloc : memref<!tpu.dma_semaphore, #tpu.memory_space<semaphore_mem>>
      tpu.enqueue_dma source(%arg2 : memref<16xi32, #tpu.memory_space<hbm>>) target(%arg9 : memref<16xi32, #tpu.memory_space<vmem>>) target_semaphore(%run_scoped3A : memref<!tpu.dma_semaphore, #tpu.memory_space<semaphore_mem>>)
      tpu.wait_dma2 semaphore(%run_scoped3A : memref<!tpu.dma_semaphore, #tpu.memory_space<semaphore_mem>>) src(%arg2 : memref<16xi32, #tpu.memory_space<hbm>>) dst(%arg9 : memref<16xi32, #tpu.memory_space<vmem>>)
      tpu.yield
    }) : () -> ()
    %get3A = arith.constant 0 : index
    %get3A_31 = tpu.vector_load %arg9[%get3A] {strides = array<i32>} : memref<16xi32, #tpu.memory_space<vmem>>, vector<16xi32>,
    %slice3A = vector.extract_strided_slice %get3A_31 {offsets = [0], sizes = [1], strides = [1]} : vector<16xi32> to vector<1xi32>
    %squeeze3A = vector.extract %slice3A[0] : i32 from vector<1xi32>
    %slice3A_32 = vector.extract_strided_slice %get3A_31 {offsets = [1], sizes = [1], strides = [1]} : vector<16xi32> to vector<1xi32>
    %squeeze3A_33 = vector.extract %slice3A_32[0] : i32 from vector<1xi32>
    %add3A_34 = arith.addi %squeeze3A_33, %mul3A_2 : i32
    %eq3A = arith.cmpi eq, %squeeze3A, %squeeze3A_33 : i32
    %ge3A = arith.cmpi sge, %add3A_34, %squeeze3A : i32
    %add3A_35 = arith.constant 512 : i32
    %add3A_36 = arith.addi %add3A_34, %add3A_35 : i32
    %add3A_37 = arith.constant 16384 : i32
    %add3A_38 = arith.addi %squeeze3A, %add3A_37 : i32
    %le3A = arith.cmpi sle, %add3A_36, %add3A_38 : i32
    %and3A = arith.andi %ge3A, %le3A : i1
    %add3A_39 = arith.constant 512 : i32
    %add3A_40 = arith.addi %add3A_34, %add3A_39 : i32
    %le3A_41 = arith.cmpi sle, %add3A_40, %squeeze3A : i32
    %add3A_42 = arith.constant 16384 : i32
    %add3A_43 = arith.addi %squeeze3A, %add3A_42 : i32
    %ge3A_44 = arith.cmpi sge, %add3A_34, %add3A_43 : i32
    %or3A = arith.ori %le3A_41, %ge3A_44 : i1
    %sub3A = arith.subi %add3A_34, %squeeze3A : i32
    %jit3A = arith.constant 512 : i64
    %convert_element_type3A = arith.trunci %jit3A : i64 to i32
    %eq3A_45 = arith.constant 0 : i32
    %eq3A_46 = arith.cmpi eq, %convert_element_type3A, %eq3A_45 : i32
    %jit3A_47 = arith.constant 1 : i32
    %select_n3A = arith.select %eq3A_46, %jit3A_47, %convert_element_type3A : i32
    %rem3A = arith.remsi %sub3A, %select_n3A : i32
    %ne3A = arith.constant 0 : i32
    %ne3A_48 = arith.cmpi ne, %rem3A, %ne3A : i32
    %lt3A = arith.constant 0 : i32
    %lt3A_49 = arith.cmpi slt, %rem3A, %lt3A : i32
    %lt3A_50 = arith.constant 0 : i32
    %lt3A_51 = arith.cmpi slt, %select_n3A, %lt3A_50 : i32
    %ne3A_52 = arith.xori %lt3A_49, %lt3A_51 : i1
    %and3A_53 = arith.andi %ne3A_52, %ne3A_48 : i1
    %add3A_54 = arith.addi %rem3A, %select_n3A : i32
    %select_n3A_55 = arith.select %and3A_53, %add3A_54, %rem3A : i32
    %eq3A_56 = arith.constant 0 : i32
    %eq3A_57 = arith.cmpi eq, %select_n3A_55, %eq3A_56 : i32
    %and3A_58 = arith.andi %and3A, %eq3A_57 : i1
    %not3A = arith.constant true
    %not3A_59 = arith.xori %eq3A, %not3A : i1
    %and3A_60 = arith.andi %and3A_58, %not3A_59 : i1
    %jit3A_61 = arith.constant 512 : i64
    %convert_element_type3A_62 = arith.trunci %jit3A_61 : i64 to i32
    %eq3A_63 = arith.constant 0 : i32
    %eq3A_64 = arith.cmpi eq, %convert_element_type3A_62, %eq3A_63 : i32
    %jit3A_65 = arith.constant 1 : i32
    %select_n3A_66 = arith.select %eq3A_64, %jit3A_65, %convert_element_type3A_62 : i32
    %rem3A_67 = arith.remsi %add3A_34, %select_n3A_66 : i32
    %ne3A_68 = arith.constant 0 : i32
    %ne3A_69 = arith.cmpi ne, %rem3A_67, %ne3A_68 : i32
    %lt3A_70 = arith.constant 0 : i32
    %lt3A_71 = arith.cmpi slt, %rem3A_67, %lt3A_70 : i32
    %lt3A_72 = arith.constant 0 : i32
    %lt3A_73 = arith.cmpi slt, %select_n3A_66, %lt3A_72 : i32
    %ne3A_74 = arith.xori %lt3A_71, %lt3A_73 : i1
    %and3A_75 = arith.andi %ne3A_74, %ne3A_69 : i1
    %add3A_76 = arith.addi %rem3A_67, %select_n3A_66 : i32
    %select_n3A_77 = arith.select %and3A_75, %add3A_76, %rem3A_67 : i32
    %eq3A_78 = arith.constant 0 : i32
    %eq3A_79 = arith.cmpi eq, %select_n3A_77, %eq3A_78 : i32
    %and3A_80 = arith.andi %or3A, %eq3A_79 : i1
    %or3A_81 = arith.ori %and3A_60, %and3A_80 : i1
    %or3A_82 = arith.ori %or3A_81, %eq3A : i1
    %not3A_83 = arith.constant true
    %not3A_84 = arith.xori %or3A_82, %not3A_83 : i1
    %convert_element_type3A_85 = arith.extui %eq3A : i1 to i32
    %cond3A = arith.constant 0 : i32
    %cond3A_86 = arith.cmpi ne, %convert_element_type3A_85, %cond3A : i32
    scf.if %cond3A_86 {
      %dma_wait3A = arith.constant 0 : i32
      %dma_wait3A_106 = arith.constant 0 : i32
      %dma_wait3A_107 = tpu.memref_slice %arg10[%dma_wait3A, %dma_wait3A_106] : memref<512x128xf32, #tpu.memory_space<vmem>> -> memref<256x128xf32, #tpu.memory_space<vmem>>
      %dma_wait3A_108 = arith.constant 0 : i32
      %dma_wait3A_109 = tpu.memref_slice %arg3[%multiple_of3A, %dma_wait3A_108] : memref<16384x128xf32, #tpu.memory_space<hbm>> -> memref<256x128xf32, #tpu.memory_space<hbm>>
      %dma_wait3A_110 = arith.constant 0 : i32
      %dma_wait3A_111 = arith.constant 0 : i32
      %dma_wait3A_112 = tpu.memref_slice %arg10[%dma_wait3A_110, %dma_wait3A_111] : memref<512x128xf32, #tpu.memory_space<vmem>> -> memref<256x128xf32, #tpu.memory_space<vmem>>
      %dma_wait3A_113 = arith.constant 0 : i32
      %dma_wait3A_114 = tpu.memref_slice %arg3[%multiple_of3A, %dma_wait3A_113] : memref<16384x128xf32, #tpu.memory_space<hbm>> -> memref<256x128xf32, #tpu.memory_space<hbm>>
      tpu.wait_dma2 semaphore(%arg15 : memref<!tpu.dma_semaphore, #tpu.memory_space<semaphore_mem>>) src(%dma_wait3A_114 : memref<256x128xf32, #tpu.memory_space<hbm>>) dst(%dma_wait3A_112 : memref<256x128xf32, #tpu.memory_space<vmem>>)
      %dma_start3A_115 = arith.constant 0 : i32
      %dma_start3A_116 = arith.constant 0 : i32
      %dma_start3A_117 = tpu.memref_slice %arg10[%dma_start3A_115, %dma_start3A_116] : memref<512x128xf32, #tpu.memory_space<vmem>> -> memref<256x128xf32, #tpu.memory_space<vmem>>
      %dma_start3A_118 = arith.constant 0 : i32
      %dma_start3A_119 = tpu.memref_slice %arg7[%multiple_of3A, %dma_start3A_118] : memref<16384x128xf32, #tpu.memory_space<hbm>> -> memref<256x128xf32, #tpu.memory_space<hbm>>
      %dma_start3A_120 = arith.constant 0 : i32
      %dma_start3A_121 = tpu.memref_slice %arg7[%multiple_of3A, %dma_start3A_120] : memref<16384x128xf32, #tpu.memory_space<hbm>> -> memref<256x128xf32, #tpu.memory_space<hbm>>
      %dma_start3A_122 = arith.constant 0 : i32
      %dma_start3A_123 = arith.constant 0 : i32
      %dma_start3A_124 = tpu.memref_slice %arg10[%dma_start3A_122, %dma_start3A_123] : memref<512x128xf32, #tpu.memory_space<vmem>> -> memref<256x128xf32, #tpu.memory_space<vmem>>
      tpu.enqueue_dma source(%dma_start3A_124 : memref<256x128xf32, #tpu.memory_space<vmem>>) target(%dma_start3A_121 : memref<256x128xf32, #tpu.memory_space<hbm>>) target_semaphore(%arg15 : memref<!tpu.dma_semaphore, #tpu.memory_space<semaphore_mem>>)
      %dma_wait3A_125 = arith.constant 256 : i32
      %dma_wait3A_126 = arith.constant 0 : i32
      %dma_wait3A_127 = tpu.memref_slice %arg10[%dma_wait3A_125, %dma_wait3A_126] : memref<512x128xf32, #tpu.memory_space<vmem>> -> memref<256x128xf32, #tpu.memory_space<vmem>>
      %dma_wait3A_128 = arith.constant 0 : i32
      %dma_wait3A_129 = tpu.memref_slice %arg3[%multiple_of3A_5, %dma_wait3A_128] : memref<16384x128xf32, #tpu.memory_space<hbm>> -> memref<256x128xf32, #tpu.memory_space<hbm>>
      %dma_wait3A_130 = arith.constant 256 : i32
      %dma_wait3A_131 = arith.constant 0 : i32
      %dma_wait3A_132 = tpu.memref_slice %arg10[%dma_wait3A_130, %dma_wait3A_131] : memref<512x128xf32, #tpu.memory_space<vmem>> -> memref<256x128xf32, #tpu.memory_space<vmem>>
      %dma_wait3A_133 = arith.constant 0 : i32
      %dma_wait3A_134 = tpu.memref_slice %arg3[%multiple_of3A_5, %dma_wait3A_133] : memref<16384x128xf32, #tpu.memory_space<hbm>> -> memref<256x128xf32, #tpu.memory_space<hbm>>
      tpu.wait_dma2 semaphore(%arg16 : memref<!tpu.dma_semaphore, #tpu.memory_space<semaphore_mem>>) src(%dma_wait3A_134 : memref<256x128xf32, #tpu.memory_space<hbm>>) dst(%dma_wait3A_132 : memref<256x128xf32, #tpu.memory_space<vmem>>)
      %dma_start3A_135 = arith.constant 256 : i32
      %dma_start3A_136 = arith.constant 0 : i32
      %dma_start3A_137 = tpu.memref_slice %arg10[%dma_start3A_135, %dma_start3A_136] : memref<512x128xf32, #tpu.memory_space<vmem>> -> memref<256x128xf32, #tpu.memory_space<vmem>>
      %dma_start3A_138 = arith.constant 0 : i32
      %dma_start3A_139 = tpu.memref_slice %arg7[%multiple_of3A_5, %dma_start3A_138] : memref<16384x128xf32, #tpu.memory_space<hbm>> -> memref<256x128xf32, #tpu.memory_space<hbm>>
      %dma_start3A_140 = arith.constant 0 : i32
      %dma_start3A_141 = tpu.memref_slice %arg7[%multiple_of3A_5, %dma_start3A_140] : memref<16384x128xf32, #tpu.memory_space<hbm>> -> memref<256x128xf32, #tpu.memory_space<hbm>>
      %dma_start3A_142 = arith.constant 256 : i32
      %dma_start3A_143 = arith.constant 0 : i32
      %dma_start3A_144 = tpu.memref_slice %arg10[%dma_start3A_142, %dma_start3A_143] : memref<512x128xf32, #tpu.memory_space<vmem>> -> memref<256x128xf32, #tpu.memory_space<vmem>>
      tpu.enqueue_dma source(%dma_start3A_144 : memref<256x128xf32, #tpu.memory_space<vmem>>) target(%dma_start3A_141 : memref<256x128xf32, #tpu.memory_space<hbm>>) target_semaphore(%arg16 : memref<!tpu.dma_semaphore, #tpu.memory_space<semaphore_mem>>)
      %dma_wait3A_145 = tpu.memref_slice %arg4[%multiple_of3A] : memref<32768xi32, #tpu.memory_space<hbm>> -> memref<512xi32, #tpu.memory_space<hbm>>
      %dma_wait3A_146 = tpu.memref_slice %arg4[%multiple_of3A] : memref<32768xi32, #tpu.memory_space<hbm>> -> memref<512xi32, #tpu.memory_space<hbm>>
      tpu.wait_dma2 semaphore(%arg17 : memref<!tpu.dma_semaphore, #tpu.memory_space<semaphore_mem>>) src(%dma_wait3A_146 : memref<512xi32, #tpu.memory_space<hbm>>) dst(%arg11 : memref<512xi32, #tpu.memory_space<vmem>>)
      %dma_wait3A_147 = tpu.memref_slice %arg4[%add3A_28] : memref<32768xi32, #tpu.memory_space<hbm>> -> memref<512xi32, #tpu.memory_space<hbm>>
      %dma_wait3A_148 = tpu.memref_slice %arg4[%add3A_28] : memref<32768xi32, #tpu.memory_space<hbm>> -> memref<512xi32, #tpu.memory_space<hbm>>
      tpu.wait_dma2 semaphore(%arg17 : memref<!tpu.dma_semaphore, #tpu.memory_space<semaphore_mem>>) src(%dma_wait3A_148 : memref<512xi32, #tpu.memory_space<hbm>>) dst(%arg12 : memref<512xi32, #tpu.memory_space<vmem>>)
      %dma_start3A_149 = tpu.memref_slice %arg8[%multiple_of3A] : memref<32768xi32, #tpu.memory_space<hbm>> -> memref<512xi32, #tpu.memory_space<hbm>>
      %dma_start3A_150 = tpu.memref_slice %arg8[%multiple_of3A] : memref<32768xi32, #tpu.memory_space<hbm>> -> memref<512xi32, #tpu.memory_space<hbm>>
      tpu.enqueue_dma source(%arg11 : memref<512xi32, #tpu.memory_space<vmem>>) target(%dma_start3A_150 : memref<512xi32, #tpu.memory_space<hbm>>) target_semaphore(%arg17 : memref<!tpu.dma_semaphore, #tpu.memory_space<semaphore_mem>>)
      %add3A_151 = arith.constant 16384 : i32
      %add3A_152 = arith.addi %add3A_151, %multiple_of3A : i32
      %dma_start3A_153 = tpu.memref_slice %arg8[%add3A_152] : memref<32768xi32, #tpu.memory_space<hbm>> -> memref<512xi32, #tpu.memory_space<hbm>>
      %dma_start3A_154 = tpu.memref_slice %arg8[%add3A_152] : memref<32768xi32, #tpu.memory_space<hbm>> -> memref<512xi32, #tpu.memory_space<hbm>>
      tpu.enqueue_dma source(%arg12 : memref<512xi32, #tpu.memory_space<vmem>>) target(%dma_start3A_154 : memref<512xi32, #tpu.memory_space<hbm>>) target_semaphore(%arg17 : memref<!tpu.dma_semaphore, #tpu.memory_space<semaphore_mem>>)
      %dma_wait3A_155 = arith.constant 0 : i32
      %dma_wait3A_156 = arith.constant 0 : i32
      %dma_wait3A_157 = tpu.memref_slice %arg10[%dma_wait3A_155, %dma_wait3A_156] : memref<512x128xf32, #tpu.memory_space<vmem>> -> memref<256x128xf32, #tpu.memory_space<vmem>>
      %dma_wait3A_158 = arith.constant 0 : i32
      %dma_wait3A_159 = tpu.memref_slice %arg7[%multiple_of3A, %dma_wait3A_158] : memref<16384x128xf32, #tpu.memory_space<hbm>> -> memref<256x128xf32, #tpu.memory_space<hbm>>
      %dma_wait3A_160 = arith.constant 0 : i32
      %dma_wait3A_161 = tpu.memref_slice %arg7[%multiple_of3A, %dma_wait3A_160] : memref<16384x128xf32, #tpu.memory_space<hbm>> -> memref<256x128xf32, #tpu.memory_space<hbm>>
      %dma_wait3A_162 = arith.constant 0 : i32
      %dma_wait3A_163 = arith.constant 0 : i32
      %dma_wait3A_164 = tpu.memref_slice %arg10[%dma_wait3A_162, %dma_wait3A_163] : memref<512x128xf32, #tpu.memory_space<vmem>> -> memref<256x128xf32, #tpu.memory_space<vmem>>
      tpu.wait_dma2 semaphore(%arg15 : memref<!tpu.dma_semaphore, #tpu.memory_space<semaphore_mem>>) src(%dma_wait3A_164 : memref<256x128xf32, #tpu.memory_space<vmem>>) dst(%dma_wait3A_161 : memref<256x128xf32, #tpu.memory_space<hbm>>)
      %dma_wait3A_165 = arith.constant 256 : i32
      %dma_wait3A_166 = arith.constant 0 : i32
      %dma_wait3A_167 = tpu.memref_slice %arg10[%dma_wait3A_165, %dma_wait3A_166] : memref<512x128xf32, #tpu.memory_space<vmem>> -> memref<256x128xf32, #tpu.memory_space<vmem>>
      %dma_wait3A_168 = arith.constant 0 : i32
      %dma_wait3A_169 = tpu.memref_slice %arg7[%multiple_of3A_5, %dma_wait3A_168] : memref<16384x128xf32, #tpu.memory_space<hbm>> -> memref<256x128xf32, #tpu.memory_space<hbm>>
      %dma_wait3A_170 = arith.constant 0 : i32
      %dma_wait3A_171 = tpu.memref_slice %arg7[%multiple_of3A_5, %dma_wait3A_170] : memref<16384x128xf32, #tpu.memory_space<hbm>> -> memref<256x128xf32, #tpu.memory_space<hbm>>
      %dma_wait3A_172 = arith.constant 256 : i32
      %dma_wait3A_173 = arith.constant 0 : i32
      %dma_wait3A_174 = tpu.memref_slice %arg10[%dma_wait3A_172, %dma_wait3A_173] : memref<512x128xf32, #tpu.memory_space<vmem>> -> memref<256x128xf32, #tpu.memory_space<vmem>>
      tpu.wait_dma2 semaphore(%arg16 : memref<!tpu.dma_semaphore, #tpu.memory_space<semaphore_mem>>) src(%dma_wait3A_174 : memref<256x128xf32, #tpu.memory_space<vmem>>) dst(%dma_wait3A_171 : memref<256x128xf32, #tpu.memory_space<hbm>>)
      %dma_wait3A_175 = tpu.memref_slice %arg8[%multiple_of3A] : memref<32768xi32, #tpu.memory_space<hbm>> -> memref<512xi32, #tpu.memory_space<hbm>>
      %dma_wait3A_176 = tpu.memref_slice %arg8[%multiple_of3A] : memref<32768xi32, #tpu.memory_space<hbm>> -> memref<512xi32, #tpu.memory_space<hbm>>
      tpu.wait_dma2 semaphore(%arg17 : memref<!tpu.dma_semaphore, #tpu.memory_space<semaphore_mem>>) src(%arg11 : memref<512xi32, #tpu.memory_space<vmem>>) dst(%dma_wait3A_176 : memref<512xi32, #tpu.memory_space<hbm>>)
      %dma_wait3A_177 = tpu.memref_slice %arg8[%add3A_152] : memref<32768xi32, #tpu.memory_space<hbm>> -> memref<512xi32, #tpu.memory_space<hbm>>
      %dma_wait3A_178 = tpu.memref_slice %arg8[%add3A_152] : memref<32768xi32, #tpu.memory_space<hbm>> -> memref<512xi32, #tpu.memory_space<hbm>>
      tpu.wait_dma2 semaphore(%arg17 : memref<!tpu.dma_semaphore, #tpu.memory_space<semaphore_mem>>) src(%arg12 : memref<512xi32, #tpu.memory_space<vmem>>) dst(%dma_wait3A_178 : memref<512xi32, #tpu.memory_space<hbm>>)
    } else {
    }
    %not3A_87 = arith.constant true
    %not3A_88 = arith.xori %eq3A, %not3A_87 : i1
    %convert_element_type3A_89 = arith.extui %not3A_88 : i1 to i32
    %cond3A_90 = arith.constant 0 : i32
    %cond3A_91 = arith.cmpi ne, %convert_element_type3A_89, %cond3A_90 : i32
    scf.if %cond3A_91 {
      %dma_wait3A = arith.constant 0 : i32
      %dma_wait3A_106 = arith.constant 0 : i32
      %dma_wait3A_107 = tpu.memref_slice %arg10[%dma_wait3A, %dma_wait3A_106] : memref<512x128xf32, #tpu.memory_space<vmem>> -> memref<256x128xf32, #tpu.memory_space<vmem>>
      %dma_wait3A_108 = arith.constant 0 : i32
      %dma_wait3A_109 = tpu.memref_slice %arg3[%multiple_of3A, %dma_wait3A_108] : memref<16384x128xf32, #tpu.memory_space<hbm>> -> memref<256x128xf32, #tpu.memory_space<hbm>>
      %dma_wait3A_110 = arith.constant 0 : i32
      %dma_wait3A_111 = arith.constant 0 : i32
      %dma_wait3A_112 = tpu.memref_slice %arg10[%dma_wait3A_110, %dma_wait3A_111] : memref<512x128xf32, #tpu.memory_space<vmem>> -> memref<256x128xf32, #tpu.memory_space<vmem>>
      %dma_wait3A_113 = arith.constant 0 : i32
      %dma_wait3A_114 = tpu.memref_slice %arg3[%multiple_of3A, %dma_wait3A_113] : memref<16384x128xf32, #tpu.memory_space<hbm>> -> memref<256x128xf32, #tpu.memory_space<hbm>>
      tpu.wait_dma2 semaphore(%arg15 : memref<!tpu.dma_semaphore, #tpu.memory_space<semaphore_mem>>) src(%dma_wait3A_114 : memref<256x128xf32, #tpu.memory_space<hbm>>) dst(%dma_wait3A_112 : memref<256x128xf32, #tpu.memory_space<vmem>>)
      %dma_wait3A_115 = arith.constant 256 : i32
      %dma_wait3A_116 = arith.constant 0 : i32
      %dma_wait3A_117 = tpu.memref_slice %arg10[%dma_wait3A_115, %dma_wait3A_116] : memref<512x128xf32, #tpu.memory_space<vmem>> -> memref<256x128xf32, #tpu.memory_space<vmem>>
      %dma_wait3A_118 = arith.constant 0 : i32
      %dma_wait3A_119 = tpu.memref_slice %arg3[%multiple_of3A_5, %dma_wait3A_118] : memref<16384x128xf32, #tpu.memory_space<hbm>> -> memref<256x128xf32, #tpu.memory_space<hbm>>
      %dma_wait3A_120 = arith.constant 256 : i32
      %dma_wait3A_121 = arith.constant 0 : i32
      %dma_wait3A_122 = tpu.memref_slice %arg10[%dma_wait3A_120, %dma_wait3A_121] : memref<512x128xf32, #tpu.memory_space<vmem>> -> memref<256x128xf32, #tpu.memory_space<vmem>>
      %dma_wait3A_123 = arith.constant 0 : i32
      %dma_wait3A_124 = tpu.memref_slice %arg3[%multiple_of3A_5, %dma_wait3A_123] : memref<16384x128xf32, #tpu.memory_space<hbm>> -> memref<256x128xf32, #tpu.memory_space<hbm>>
      tpu.wait_dma2 semaphore(%arg16 : memref<!tpu.dma_semaphore, #tpu.memory_space<semaphore_mem>>) src(%dma_wait3A_124 : memref<256x128xf32, #tpu.memory_space<hbm>>) dst(%dma_wait3A_122 : memref<256x128xf32, #tpu.memory_space<vmem>>)
      %dma_wait3A_125 = tpu.memref_slice %arg4[%multiple_of3A] : memref<32768xi32, #tpu.memory_space<hbm>> -> memref<512xi32, #tpu.memory_space<hbm>>
      %dma_wait3A_126 = tpu.memref_slice %arg4[%multiple_of3A] : memref<32768xi32, #tpu.memory_space<hbm>> -> memref<512xi32, #tpu.memory_space<hbm>>
      tpu.wait_dma2 semaphore(%arg17 : memref<!tpu.dma_semaphore, #tpu.memory_space<semaphore_mem>>) src(%dma_wait3A_126 : memref<512xi32, #tpu.memory_space<hbm>>) dst(%arg11 : memref<512xi32, #tpu.memory_space<vmem>>)
      %dma_wait3A_127 = tpu.memref_slice %arg4[%add3A_28] : memref<32768xi32, #tpu.memory_space<hbm>> -> memref<512xi32, #tpu.memory_space<hbm>>
      %dma_wait3A_128 = tpu.memref_slice %arg4[%add3A_28] : memref<32768xi32, #tpu.memory_space<hbm>> -> memref<512xi32, #tpu.memory_space<hbm>>
      tpu.wait_dma2 semaphore(%arg17 : memref<!tpu.dma_semaphore, #tpu.memory_space<semaphore_mem>>) src(%dma_wait3A_128 : memref<512xi32, #tpu.memory_space<hbm>>) dst(%arg12 : memref<512xi32, #tpu.memory_space<vmem>>)
    } else {
    }
    %convert_element_type3A_92 = arith.extui %and3A_60 : i1 to i32
    %cond3A_93 = arith.constant 0 : i32
    %cond3A_94 = arith.cmpi ne, %convert_element_type3A_92, %cond3A_93 : i32
    scf.if %cond3A_94 {
      %multiple_of3A_106 = tpu.assume_multiple %sub3A, 512 : i32
      "tpu.region"() ({
        %run_scoped3A = tpu.sem_alloc : memref<!tpu.dma_semaphore, #tpu.memory_space<semaphore_mem>>
        %dma_start3A_109 = arith.constant 0 : i32
        %dma_start3A_110 = tpu.memref_slice %arg3[%multiple_of3A_106, %dma_start3A_109] : memref<16384x128xf32, #tpu.memory_space<hbm>> -> memref<512x128xf32, #tpu.memory_space<hbm>>
        %dma_start3A_111 = arith.constant 0 : i32
        %dma_start3A_112 = tpu.memref_slice %arg3[%multiple_of3A_106, %dma_start3A_111] : memref<16384x128xf32, #tpu.memory_space<hbm>> -> memref<512x128xf32, #tpu.memory_space<hbm>>
        tpu.enqueue_dma source(%dma_start3A_112 : memref<512x128xf32, #tpu.memory_space<hbm>>) target(%arg10 : memref<512x128xf32, #tpu.memory_space<vmem>>) target_semaphore(%run_scoped3A : memref<!tpu.dma_semaphore, #tpu.memory_space<semaphore_mem>>)
        %dma_wait3A = arith.constant 0 : i32
        %dma_wait3A_113 = tpu.memref_slice %arg3[%multiple_of3A_106, %dma_wait3A] : memref<16384x128xf32, #tpu.memory_space<hbm>> -> memref<512x128xf32, #tpu.memory_space<hbm>>
        %dma_wait3A_114 = arith.constant 0 : i32
        %dma_wait3A_115 = tpu.memref_slice %arg3[%multiple_of3A_106, %dma_wait3A_114] : memref<16384x128xf32, #tpu.memory_space<hbm>> -> memref<512x128xf32, #tpu.memory_space<hbm>>
        tpu.wait_dma2 semaphore(%run_scoped3A : memref<!tpu.dma_semaphore, #tpu.memory_space<semaphore_mem>>) src(%dma_wait3A_115 : memref<512x128xf32, #tpu.memory_space<hbm>>) dst(%arg10 : memref<512x128xf32, #tpu.memory_space<vmem>>)
        tpu.yield
      }) : () -> ()
      "tpu.region"() ({
        %run_scoped3A = tpu.sem_alloc : memref<!tpu.dma_semaphore, #tpu.memory_space<semaphore_mem>>
        %dma_start3A_109 = tpu.memref_slice %arg4[%multiple_of3A_106] : memref<32768xi32, #tpu.memory_space<hbm>> -> memref<512xi32, #tpu.memory_space<hbm>>
        %dma_start3A_110 = tpu.memref_slice %arg4[%multiple_of3A_106] : memref<32768xi32, #tpu.memory_space<hbm>> -> memref<512xi32, #tpu.memory_space<hbm>>
        tpu.enqueue_dma source(%dma_start3A_110 : memref<512xi32, #tpu.memory_space<hbm>>) target(%arg11 : memref<512xi32, #tpu.memory_space<vmem>>) target_semaphore(%run_scoped3A : memref<!tpu.dma_semaphore, #tpu.memory_space<semaphore_mem>>)
        %dma_wait3A = tpu.memref_slice %arg4[%multiple_of3A_106] : memref<32768xi32, #tpu.memory_space<hbm>> -> memref<512xi32, #tpu.memory_space<hbm>>
        %dma_wait3A_111 = tpu.memref_slice %arg4[%multiple_of3A_106] : memref<32768xi32, #tpu.memory_space<hbm>> -> memref<512xi32, #tpu.memory_space<hbm>>
        tpu.wait_dma2 semaphore(%run_scoped3A : memref<!tpu.dma_semaphore, #tpu.memory_space<semaphore_mem>>) src(%dma_wait3A_111 : memref<512xi32, #tpu.memory_space<hbm>>) dst(%arg11 : memref<512xi32, #tpu.memory_space<vmem>>)
        tpu.yield
      }) : () -> ()
      %add3A_107 = arith.constant 16384 : i32
      %add3A_108 = arith.addi %add3A_107, %multiple_of3A_106 : i32
      "tpu.region"() ({
        %run_scoped3A = tpu.sem_alloc : memref<!tpu.dma_semaphore, #tpu.memory_space<semaphore_mem>>
        %dma_start3A_109 = tpu.memref_slice %arg4[%add3A_108] : memref<32768xi32, #tpu.memory_space<hbm>> -> memref<512xi32, #tpu.memory_space<hbm>>
        %dma_start3A_110 = tpu.memref_slice %arg4[%add3A_108] : memref<32768xi32, #tpu.memory_space<hbm>> -> memref<512xi32, #tpu.memory_space<hbm>>
        tpu.enqueue_dma source(%dma_start3A_110 : memref<512xi32, #tpu.memory_space<hbm>>) target(%arg12 : memref<512xi32, #tpu.memory_space<vmem>>) target_semaphore(%run_scoped3A : memref<!tpu.dma_semaphore, #tpu.memory_space<semaphore_mem>>)
        %dma_wait3A = tpu.memref_slice %arg4[%add3A_108] : memref<32768xi32, #tpu.memory_space<hbm>> -> memref<512xi32, #tpu.memory_space<hbm>>
        %dma_wait3A_111 = tpu.memref_slice %arg4[%add3A_108] : memref<32768xi32, #tpu.memory_space<hbm>> -> memref<512xi32, #tpu.memory_space<hbm>>
        tpu.wait_dma2 semaphore(%run_scoped3A : memref<!tpu.dma_semaphore, #tpu.memory_space<semaphore_mem>>) src(%dma_wait3A_111 : memref<512xi32, #tpu.memory_space<hbm>>) dst(%arg12 : memref<512xi32, #tpu.memory_space<vmem>>)
        tpu.yield
      }) : () -> ()
    } else {
    }
    %convert_element_type3A_95 = arith.extui %and3A_80 : i1 to i32
    %cond3A_96 = arith.constant 0 : i32
    %cond3A_97 = arith.cmpi ne, %convert_element_type3A_95, %cond3A_96 : i32
    scf.if %cond3A_97 {
      %multiple_of3A_106 = tpu.assume_multiple %add3A_34, 512 : i32
      "tpu.region"() ({
        %run_scoped3A = tpu.sem_alloc : memref<!tpu.dma_semaphore, #tpu.memory_space<semaphore_mem>>
        %dma_start3A_109 = arith.constant 0 : i32
        %dma_start3A_110 = tpu.memref_slice %arg5[%multiple_of3A_106, %dma_start3A_109] : memref<100000x128xf32, #tpu.memory_space<hbm>> -> memref<512x128xf32, #tpu.memory_space<hbm>>
        %dma_start3A_111 = arith.constant 0 : i32
        %dma_start3A_112 = tpu.memref_slice %arg5[%multiple_of3A_106, %dma_start3A_111] : memref<100000x128xf32, #tpu.memory_space<hbm>> -> memref<512x128xf32, #tpu.memory_space<hbm>>
        tpu.enqueue_dma source(%dma_start3A_112 : memref<512x128xf32, #tpu.memory_space<hbm>>) target(%arg10 : memref<512x128xf32, #tpu.memory_space<vmem>>) target_semaphore(%run_scoped3A : memref<!tpu.dma_semaphore, #tpu.memory_space<semaphore_mem>>)
        %dma_wait3A = arith.constant 0 : i32
        %dma_wait3A_113 = tpu.memref_slice %arg5[%multiple_of3A_106, %dma_wait3A] : memref<100000x128xf32, #tpu.memory_space<hbm>> -> memref<512x128xf32, #tpu.memory_space<hbm>>
        %dma_wait3A_114 = arith.constant 0 : i32
        %dma_wait3A_115 = tpu.memref_slice %arg5[%multiple_of3A_106, %dma_wait3A_114] : memref<100000x128xf32, #tpu.memory_space<hbm>> -> memref<512x128xf32, #tpu.memory_space<hbm>>
        tpu.wait_dma2 semaphore(%run_scoped3A : memref<!tpu.dma_semaphore, #tpu.memory_space<semaphore_mem>>) src(%dma_wait3A_115 : memref<512x128xf32, #tpu.memory_space<hbm>>) dst(%arg10 : memref<512x128xf32, #tpu.memory_space<vmem>>)
        tpu.yield
      }) : () -> ()
      "tpu.region"() ({
        %run_scoped3A = tpu.sem_alloc : memref<!tpu.dma_semaphore, #tpu.memory_space<semaphore_mem>>
        %dma_start3A_109 = tpu.memref_slice %arg6[%multiple_of3A_106] : memref<200000xi32, #tpu.memory_space<hbm>> -> memref<512xi32, #tpu.memory_space<hbm>>
        %dma_start3A_110 = tpu.memref_slice %arg6[%multiple_of3A_106] : memref<200000xi32, #tpu.memory_space<hbm>> -> memref<512xi32, #tpu.memory_space<hbm>>
        tpu.enqueue_dma source(%dma_start3A_110 : memref<512xi32, #tpu.memory_space<hbm>>) target(%arg11 : memref<512xi32, #tpu.memory_space<vmem>>) target_semaphore(%run_scoped3A : memref<!tpu.dma_semaphore, #tpu.memory_space<semaphore_mem>>)
        %dma_wait3A = tpu.memref_slice %arg6[%multiple_of3A_106] : memref<200000xi32, #tpu.memory_space<hbm>> -> memref<512xi32, #tpu.memory_space<hbm>>
        %dma_wait3A_111 = tpu.memref_slice %arg6[%multiple_of3A_106] : memref<200000xi32, #tpu.memory_space<hbm>> -> memref<512xi32, #tpu.memory_space<hbm>>
        tpu.wait_dma2 semaphore(%run_scoped3A : memref<!tpu.dma_semaphore, #tpu.memory_space<semaphore_mem>>) src(%dma_wait3A_111 : memref<512xi32, #tpu.memory_space<hbm>>) dst(%arg11 : memref<512xi32, #tpu.memory_space<vmem>>)
        tpu.yield
      }) : () -> ()
      %add3A_107 = arith.constant 100000 : i32
      %add3A_108 = arith.addi %add3A_107, %multiple_of3A_106 : i32
      "tpu.region"() ({
        %run_scoped3A = tpu.sem_alloc : memref<!tpu.dma_semaphore, #tpu.memory_space<semaphore_mem>>
        %dma_start3A_109 = tpu.memref_slice %arg6[%add3A_108] : memref<200000xi32, #tpu.memory_space<hbm>> -> memref<512xi32, #tpu.memory_space<hbm>>
        %dma_start3A_110 = tpu.memref_slice %arg6[%add3A_108] : memref<200000xi32, #tpu.memory_space<hbm>> -> memref<512xi32, #tpu.memory_space<hbm>>
        tpu.enqueue_dma source(%dma_start3A_110 : memref<512xi32, #tpu.memory_space<hbm>>) target(%arg12 : memref<512xi32, #tpu.memory_space<vmem>>) target_semaphore(%run_scoped3A : memref<!tpu.dma_semaphore, #tpu.memory_space<semaphore_mem>>)
        %dma_wait3A = tpu.memref_slice %arg6[%add3A_108] : memref<200000xi32, #tpu.memory_space<hbm>> -> memref<512xi32, #tpu.memory_space<hbm>>
        %dma_wait3A_111 = tpu.memref_slice %arg6[%add3A_108] : memref<200000xi32, #tpu.memory_space<hbm>> -> memref<512xi32, #tpu.memory_space<hbm>>
        tpu.wait_dma2 semaphore(%run_scoped3A : memref<!tpu.dma_semaphore, #tpu.memory_space<semaphore_mem>>) src(%dma_wait3A_111 : memref<512xi32, #tpu.memory_space<hbm>>) dst(%arg12 : memref<512xi32, #tpu.memory_space<vmem>>)
        tpu.yield
      }) : () -> ()
    } else {
    }
    %convert_element_type3A_98 = arith.extui %not3A_84 : i1 to i32
    %cond3A_99 = arith.constant 0 : i32
    %cond3A_100 = arith.cmpi ne, %convert_element_type3A_98, %cond3A_99 : i32
    scf.if %cond3A_100 {
      %iota3A = tpu.iota {dimensions = array<i32: 0>} : vector<16xi32>
      %while3A = arith.constant 0 : i32
      %while3A_106 = arith.constant 0 : i32
      %while3A_107 = arith.constant 32 : i32
      %while3A_108 = arith.subi %while3A_107, %while3A_106 : i32
      %while3A_109 = arith.addi %while3A_106, %while3A_108 : i32
      %while3A_110 = arith.constant 1 : i32
      %while3A_111 = arith.divsi %while3A_108, %while3A_110 : i32
      %while3A_112 = arith.muli %while3A_111, %while3A_110 : i32
      %while3A_113 = arith.addi %while3A_106, %while3A_112 : i32
      %while3A_114 = arith.constant 1 : i32
      scf.for %while3A_116 = %while3A_106 to %while3A_113 step %while3A_114  : i32 {
        %mul3A_117 = arith.constant 16 : i32
        %mul3A_118 = arith.muli %while3A_116, %mul3A_117 : i32
        %add3A_119 = arith.addi %add3A_34, %mul3A_118 : i32
        %add3A_120 = vector.broadcast %add3A_119 : i32 to vector<16xi32>
        %add3A_121 = arith.addi %add3A_120, %iota3A : vector<16xi32>
        %ge3A_122 = vector.broadcast %squeeze3A : i32 to vector<16xi32>
        %ge3A_123 = arith.cmpi sge, %add3A_121, %ge3A_122 : vector<16xi32>
        %add3A_124 = arith.constant 16384 : i32
        %add3A_125 = arith.addi %squeeze3A, %add3A_124 : i32
        %lt3A_126 = vector.broadcast %add3A_125 : i32 to vector<16xi32>
        %lt3A_127 = arith.cmpi slt, %add3A_121, %lt3A_126 : vector<16xi32>
        %and3A_128 = arith.andi %ge3A_123, %lt3A_127 : vector<16xi1>
        %sub3A_129 = vector.broadcast %squeeze3A : i32 to vector<16xi32>
        %sub3A_130 = arith.subi %add3A_121, %sub3A_129 : vector<16xi32>
        %jit3A_131 = arith.constant 0 : i64
        %jit3A_132 = arith.constant 16383 : i64
        %convert_element_type3A_133 = arith.trunci %jit3A_131 : i64 to i32
        %max3A = vector.broadcast %convert_element_type3A_133 : i32 to vector<16xi32>
        %max3A_134 = arith.maxsi %max3A, %sub3A_130 : vector<16xi32>
        %convert_element_type3A_135 = arith.trunci %jit3A_132 : i64 to i32
        %min3A = vector.broadcast %convert_element_type3A_135 : i32 to vector<16xi32>
        %min3A_136 = arith.minsi %min3A, %max3A_134 : vector<16xi32>
        %dma_start3A_137 = arith.constant 0 : i32
        %dma_start3A_138 = tpu.memref_slice %arg10[%mul3A_118, %dma_start3A_137] : memref<512x128xf32, #tpu.memory_space<vmem>> -> memref<16x128xf32, #tpu.memory_space<vmem>>
        %dma_start3A_139 = arith.constant 0 : i32
        %dma_start3A_140 = arith.constant 0 : i32
        %dma_start3A_141 = tpu.memref_slice %arg3[%dma_start3A_139, %dma_start3A_140] : memref<16384x128xf32, #tpu.memory_space<hbm>> -> memref<16384x128xf32, #tpu.memory_space<hbm>>
        tpu.enqueue_indirect_dma source(%dma_start3A_141 : memref<16384x128xf32, #tpu.memory_space<hbm>>) target(%dma_start3A_138 : memref<16x128xf32, #tpu.memory_space<vmem>>) offsets(%min3A_136 : vector<16xi32>) semaphore(%arg15 : memref<!tpu.dma_semaphore, #tpu.memory_space<semaphore_mem>>)
        %dma_wait3A = arith.constant 0 : i32
        %dma_wait3A_142 = tpu.memref_slice %arg10[%mul3A_118, %dma_wait3A] : memref<512x128xf32, #tpu.memory_space<vmem>> -> memref<16x128xf32, #tpu.memory_space<vmem>>
        %dma_wait3A_143 = arith.constant 0 : i32
        %dma_wait3A_144 = arith.constant 0 : i32
        %dma_wait3A_145 = tpu.memref_slice %arg3[%dma_wait3A_143, %dma_wait3A_144] : memref<16384x128xf32, #tpu.memory_space<hbm>> -> memref<16384x128xf32, #tpu.memory_space<hbm>>
        tpu.wait_indirect_dma semaphore(%arg15 : memref<!tpu.dma_semaphore, #tpu.memory_space<semaphore_mem>>) src(%dma_wait3A_145 : memref<16384x128xf32, #tpu.memory_space<hbm>>) dst(%dma_wait3A_142 : memref<16x128xf32, #tpu.memory_space<vmem>>)
        %dma_start3A_146 = arith.constant 0 : i32
        %dma_start3A_147 = arith.constant 0 : i32
        %dma_start3A_148 = tpu.memref_slice %arg5[%dma_start3A_146, %dma_start3A_147] : memref<100000x128xf32, #tpu.memory_space<hbm>> -> memref<100000x128xf32, #tpu.memory_space<hbm>>
        tpu.enqueue_indirect_dma source(%dma_start3A_148 : memref<100000x128xf32, #tpu.memory_space<hbm>>) target(%arg13 : memref<16x128xf32, #tpu.memory_space<vmem>>) offsets(%add3A_121 : vector<16xi32>) semaphore(%arg15 : memref<!tpu.dma_semaphore, #tpu.memory_space<semaphore_mem>>)
        %dma_wait3A_149 = arith.constant 0 : i32
        %dma_wait3A_150 = arith.constant 0 : i32
        %dma_wait3A_151 = tpu.memref_slice %arg5[%dma_wait3A_149, %dma_wait3A_150] : memref<100000x128xf32, #tpu.memory_space<hbm>> -> memref<100000x128xf32, #tpu.memory_space<hbm>>
        tpu.wait_indirect_dma semaphore(%arg15 : memref<!tpu.dma_semaphore, #tpu.memory_space<semaphore_mem>>) src(%dma_wait3A_151 : memref<100000x128xf32, #tpu.memory_space<hbm>>) dst(%arg13 : memref<16x128xf32, #tpu.memory_space<vmem>>)
        %while3A_152 = arith.constant 0 : i32
        %while3A_153 = arith.constant 0 : i32
        %while3A_154 = arith.constant 16 : i32
        %while3A_155 = arith.subi %while3A_154, %while3A_153 : i32
        %while3A_156 = arith.addi %while3A_153, %while3A_155 : i32
        %while3A_157 = arith.constant 1 : i32
        %while3A_158 = arith.divsi %while3A_155, %while3A_157 : i32
        %while3A_159 = arith.muli %while3A_158, %while3A_157 : i32
        %while3A_160 = arith.addi %while3A_153, %while3A_159 : i32
        %while3A_161 = arith.constant 1 : i32
        scf.for %while3A_208 = %while3A_153 to %while3A_160 step %while3A_161  : i32 {
          %add3A_209 = arith.addi %add3A_119, %while3A_208 : i32
          %ge3A_210 = arith.cmpi sge, %add3A_209, %squeeze3A : i32
          %add3A_211 = arith.constant 16384 : i32
          %add3A_212 = arith.addi %squeeze3A, %add3A_211 : i32
          %lt3A_213 = arith.cmpi slt, %add3A_209, %add3A_212 : i32
          %and3A_214 = arith.andi %ge3A_210, %lt3A_213 : i1
          %not3A_215 = arith.constant true
          %not3A_216 = arith.xori %and3A_214, %not3A_215 : i1
          %convert_element_type3A_217 = arith.extui %not3A_216 : i1 to i32
          %cond3A_218 = arith.constant 0 : i32
          %cond3A_219 = arith.cmpi ne, %convert_element_type3A_217, %cond3A_218 : i32
          scf.if %cond3A_219 {
            %get3A_220 = arith.index_cast %while3A_208 : i32 to index
            %get3A_221 = arith.constant 0 : index
            %get3A_222 = tpu.vector_load %arg13[%get3A_220, %get3A_221] {strides = array<i32>} : memref<16x128xf32, #tpu.memory_space<vmem>>, vector<16xf32>,
            %add3A_223 = arith.addi %mul3A_118, %while3A_208 : i32
            %swap3A_224 = arith.index_cast %add3A_223 : i32 to index
            %swap3A_225 = arith.constant 0 : index
            %swap3A_226 = tpu.vector_load %arg10[%swap3A_224, %swap3A_225] {strides = array<i32>} : memref<512x128xf32, #tpu.memory_space<vmem>>, vector<16xf32>,
            tpu.vector_store %arg10[%swap3A_224, %swap3A_225], %get3A_222 {strides = array<i32>} : memref<512x128xf32, #tpu.memory_space<vmem>>, vector<16xf32>,
            %get3A_227 = arith.index_cast %while3A_208 : i32 to index
            %get3A_228 = arith.constant 16 : index
            %get3A_229 = tpu.vector_load %arg13[%get3A_227, %get3A_228] {strides = array<i32>} : memref<16x128xf32, #tpu.memory_space<vmem>>, vector<16xf32>,
            %add3A_230 = arith.addi %mul3A_118, %while3A_208 : i32
            %swap3A_231 = arith.index_cast %add3A_230 : i32 to index
            %swap3A_232 = arith.constant 16 : index
            %swap3A_233 = tpu.vector_load %arg10[%swap3A_231, %swap3A_232] {strides = array<i32>} : memref<512x128xf32, #tpu.memory_space<vmem>>, vector<16xf32>,
            tpu.vector_store %arg10[%swap3A_231, %swap3A_232], %get3A_229 {strides = array<i32>} : memref<512x128xf32, #tpu.memory_space<vmem>>, vector<16xf32>,
            %get3A_234 = arith.index_cast %while3A_208 : i32 to index
            %get3A_235 = arith.constant 32 : index
            %get3A_236 = tpu.vector_load %arg13[%get3A_234, %get3A_235] {strides = array<i32>} : memref<16x128xf32, #tpu.memory_space<vmem>>, vector<16xf32>,
            %add3A_237 = arith.addi %mul3A_118, %while3A_208 : i32
            %swap3A_238 = arith.index_cast %add3A_237 : i32 to index
            %swap3A_239 = arith.constant 32 : index
            %swap3A_240 = tpu.vector_load %arg10[%swap3A_238, %swap3A_239] {strides = array<i32>} : memref<512x128xf32, #tpu.memory_space<vmem>>, vector<16xf32>,
            tpu.vector_store %arg10[%swap3A_238, %swap3A_239], %get3A_236 {strides = array<i32>} : memref<512x128xf32, #tpu.memory_space<vmem>>, vector<16xf32>,
            %get3A_241 = arith.index_cast %while3A_208 : i32 to index
            %get3A_242 = arith.constant 48 : index
            %get3A_243 = tpu.vector_load %arg13[%get3A_241, %get3A_242] {strides = array<i32>} : memref<16x128xf32, #tpu.memory_space<vmem>>, vector<16xf32>,
            %add3A_244 = arith.addi %mul3A_118, %while3A_208 : i32
            %swap3A_245 = arith.index_cast %add3A_244 : i32 to index
            %swap3A_246 = arith.constant 48 : index
            %swap3A_247 = tpu.vector_load %arg10[%swap3A_245, %swap3A_246] {strides = array<i32>} : memref<512x128xf32, #tpu.memory_space<vmem>>, vector<16xf32>,
            tpu.vector_store %arg10[%swap3A_245, %swap3A_246], %get3A_243 {strides = array<i32>} : memref<512x128xf32, #tpu.memory_space<vmem>>, vector<16xf32>,
            %get3A_248 = arith.index_cast %while3A_208 : i32 to index
            %get3A_249 = arith.constant 64 : index
            %get3A_250 = tpu.vector_load %arg13[%get3A_248, %get3A_249] {strides = array<i32>} : memref<16x128xf32, #tpu.memory_space<vmem>>, vector<16xf32>,
            %add3A_251 = arith.addi %mul3A_118, %while3A_208 : i32
            %swap3A_252 = arith.index_cast %add3A_251 : i32 to index
            %swap3A_253 = arith.constant 64 : index
            %swap3A_254 = tpu.vector_load %arg10[%swap3A_252, %swap3A_253] {strides = array<i32>} : memref<512x128xf32, #tpu.memory_space<vmem>>, vector<16xf32>,
            tpu.vector_store %arg10[%swap3A_252, %swap3A_253], %get3A_250 {strides = array<i32>} : memref<512x128xf32, #tpu.memory_space<vmem>>, vector<16xf32>,
            %get3A_255 = arith.index_cast %while3A_208 : i32 to index
            %get3A_256 = arith.constant 80 : index
            %get3A_257 = tpu.vector_load %arg13[%get3A_255, %get3A_256] {strides = array<i32>} : memref<16x128xf32, #tpu.memory_space<vmem>>, vector<16xf32>,
            %add3A_258 = arith.addi %mul3A_118, %while3A_208 : i32
            %swap3A_259 = arith.index_cast %add3A_258 : i32 to index
            %swap3A_260 = arith.constant 80 : index
            %swap3A_261 = tpu.vector_load %arg10[%swap3A_259, %swap3A_260] {strides = array<i32>} : memref<512x128xf32, #tpu.memory_space<vmem>>, vector<16xf32>,
            tpu.vector_store %arg10[%swap3A_259, %swap3A_260], %get3A_257 {strides = array<i32>} : memref<512x128xf32, #tpu.memory_space<vmem>>, vector<16xf32>,
            %get3A_262 = arith.index_cast %while3A_208 : i32 to index
            %get3A_263 = arith.constant 96 : index
            %get3A_264 = tpu.vector_load %arg13[%get3A_262, %get3A_263] {strides = array<i32>} : memref<16x128xf32, #tpu.memory_space<vmem>>, vector<16xf32>,
            %add3A_265 = arith.addi %mul3A_118, %while3A_208 : i32
            %swap3A_266 = arith.index_cast %add3A_265 : i32 to index
            %swap3A_267 = arith.constant 96 : index
            %swap3A_268 = tpu.vector_load %arg10[%swap3A_266, %swap3A_267] {strides = array<i32>} : memref<512x128xf32, #tpu.memory_space<vmem>>, vector<16xf32>,
            tpu.vector_store %arg10[%swap3A_266, %swap3A_267], %get3A_264 {strides = array<i32>} : memref<512x128xf32, #tpu.memory_space<vmem>>, vector<16xf32>,
            %get3A_269 = arith.index_cast %while3A_208 : i32 to index
            %get3A_270 = arith.constant 112 : index
            %get3A_271 = tpu.vector_load %arg13[%get3A_269, %get3A_270] {strides = array<i32>} : memref<16x128xf32, #tpu.memory_space<vmem>>, vector<16xf32>,
            %add3A_272 = arith.addi %mul3A_118, %while3A_208 : i32
            %swap3A_273 = arith.index_cast %add3A_272 : i32 to index
            %swap3A_274 = arith.constant 112 : index
            %swap3A_275 = tpu.vector_load %arg10[%swap3A_273, %swap3A_274] {strides = array<i32>} : memref<512x128xf32, #tpu.memory_space<vmem>>, vector<16xf32>,
            tpu.vector_store %arg10[%swap3A_273, %swap3A_274], %get3A_271 {strides = array<i32>} : memref<512x128xf32, #tpu.memory_space<vmem>>, vector<16xf32>,
          } else {
          }
        }
        %while3A_162 = arith.constant 1 : i32
        scf.for %while3A_208 = %while3A_160 to %while3A_156 step %while3A_162  : i32 {
          %add3A_209 = arith.addi %add3A_119, %while3A_208 : i32
          %ge3A_210 = arith.cmpi sge, %add3A_209, %squeeze3A : i32
          %add3A_211 = arith.constant 16384 : i32
          %add3A_212 = arith.addi %squeeze3A, %add3A_211 : i32
          %lt3A_213 = arith.cmpi slt, %add3A_209, %add3A_212 : i32
          %and3A_214 = arith.andi %ge3A_210, %lt3A_213 : i1
          %not3A_215 = arith.constant true
          %not3A_216 = arith.xori %and3A_214, %not3A_215 : i1
          %convert_element_type3A_217 = arith.extui %not3A_216 : i1 to i32
          %cond3A_218 = arith.constant 0 : i32
          %cond3A_219 = arith.cmpi ne, %convert_element_type3A_217, %cond3A_218 : i32
          scf.if %cond3A_219 {
            %get3A_220 = arith.index_cast %while3A_208 : i32 to index
            %get3A_221 = arith.constant 0 : index
            %get3A_222 = tpu.vector_load %arg13[%get3A_220, %get3A_221] {strides = array<i32>} : memref<16x128xf32, #tpu.memory_space<vmem>>, vector<16xf32>,
            %add3A_223 = arith.addi %mul3A_118, %while3A_208 : i32
            %swap3A_224 = arith.index_cast %add3A_223 : i32 to index
            %swap3A_225 = arith.constant 0 : index
            %swap3A_226 = tpu.vector_load %arg10[%swap3A_224, %swap3A_225] {strides = array<i32>} : memref<512x128xf32, #tpu.memory_space<vmem>>, vector<16xf32>,
            tpu.vector_store %arg10[%swap3A_224, %swap3A_225], %get3A_222 {strides = array<i32>} : memref<512x128xf32, #tpu.memory_space<vmem>>, vector<16xf32>,
            %get3A_227 = arith.index_cast %while3A_208 : i32 to index
            %get3A_228 = arith.constant 16 : index
            %get3A_229 = tpu.vector_load %arg13[%get3A_227, %get3A_228] {strides = array<i32>} : memref<16x128xf32, #tpu.memory_space<vmem>>, vector<16xf32>,
            %add3A_230 = arith.addi %mul3A_118, %while3A_208 : i32
            %swap3A_231 = arith.index_cast %add3A_230 : i32 to index
            %swap3A_232 = arith.constant 16 : index
            %swap3A_233 = tpu.vector_load %arg10[%swap3A_231, %swap3A_232] {strides = array<i32>} : memref<512x128xf32, #tpu.memory_space<vmem>>, vector<16xf32>,
            tpu.vector_store %arg10[%swap3A_231, %swap3A_232], %get3A_229 {strides = array<i32>} : memref<512x128xf32, #tpu.memory_space<vmem>>, vector<16xf32>,
            %get3A_234 = arith.index_cast %while3A_208 : i32 to index
            %get3A_235 = arith.constant 32 : index
            %get3A_236 = tpu.vector_load %arg13[%get3A_234, %get3A_235] {strides = array<i32>} : memref<16x128xf32, #tpu.memory_space<vmem>>, vector<16xf32>,
            %add3A_237 = arith.addi %mul3A_118, %while3A_208 : i32
            %swap3A_238 = arith.index_cast %add3A_237 : i32 to index
            %swap3A_239 = arith.constant 32 : index
            %swap3A_240 = tpu.vector_load %arg10[%swap3A_238, %swap3A_239] {strides = array<i32>} : memref<512x128xf32, #tpu.memory_space<vmem>>, vector<16xf32>,
            tpu.vector_store %arg10[%swap3A_238, %swap3A_239], %get3A_236 {strides = array<i32>} : memref<512x128xf32, #tpu.memory_space<vmem>>, vector<16xf32>,
            %get3A_241 = arith.index_cast %while3A_208 : i32 to index
            %get3A_242 = arith.constant 48 : index
            %get3A_243 = tpu.vector_load %arg13[%get3A_241, %get3A_242] {strides = array<i32>} : memref<16x128xf32, #tpu.memory_space<vmem>>, vector<16xf32>,
            %add3A_244 = arith.addi %mul3A_118, %while3A_208 : i32
            %swap3A_245 = arith.index_cast %add3A_244 : i32 to index
            %swap3A_246 = arith.constant 48 : index
            %swap3A_247 = tpu.vector_load %arg10[%swap3A_245, %swap3A_246] {strides = array<i32>} : memref<512x128xf32, #tpu.memory_space<vmem>>, vector<16xf32>,
            tpu.vector_store %arg10[%swap3A_245, %swap3A_246], %get3A_243 {strides = array<i32>} : memref<512x128xf32, #tpu.memory_space<vmem>>, vector<16xf32>,
            %get3A_248 = arith.index_cast %while3A_208 : i32 to index
            %get3A_249 = arith.constant 64 : index
            %get3A_250 = tpu.vector_load %arg13[%get3A_248, %get3A_249] {strides = array<i32>} : memref<16x128xf32, #tpu.memory_space<vmem>>, vector<16xf32>,
            %add3A_251 = arith.addi %mul3A_118, %while3A_208 : i32
            %swap3A_252 = arith.index_cast %add3A_251 : i32 to index
            %swap3A_253 = arith.constant 64 : index
            %swap3A_254 = tpu.vector_load %arg10[%swap3A_252, %swap3A_253] {strides = array<i32>} : memref<512x128xf32, #tpu.memory_space<vmem>>, vector<16xf32>,
            tpu.vector_store %arg10[%swap3A_252, %swap3A_253], %get3A_250 {strides = array<i32>} : memref<512x128xf32, #tpu.memory_space<vmem>>, vector<16xf32>,
            %get3A_255 = arith.index_cast %while3A_208 : i32 to index
            %get3A_256 = arith.constant 80 : index
            %get3A_257 = tpu.vector_load %arg13[%get3A_255, %get3A_256] {strides = array<i32>} : memref<16x128xf32, #tpu.memory_space<vmem>>, vector<16xf32>,
            %add3A_258 = arith.addi %mul3A_118, %while3A_208 : i32
            %swap3A_259 = arith.index_cast %add3A_258 : i32 to index
            %swap3A_260 = arith.constant 80 : index
            %swap3A_261 = tpu.vector_load %arg10[%swap3A_259, %swap3A_260] {strides = array<i32>} : memref<512x128xf32, #tpu.memory_space<vmem>>, vector<16xf32>,
            tpu.vector_store %arg10[%swap3A_259, %swap3A_260], %get3A_257 {strides = array<i32>} : memref<512x128xf32, #tpu.memory_space<vmem>>, vector<16xf32>,
            %get3A_262 = arith.index_cast %while3A_208 : i32 to index
            %get3A_263 = arith.constant 96 : index
            %get3A_264 = tpu.vector_load %arg13[%get3A_262, %get3A_263] {strides = array<i32>} : memref<16x128xf32, #tpu.memory_space<vmem>>, vector<16xf32>,
            %add3A_265 = arith.addi %mul3A_118, %while3A_208 : i32
            %swap3A_266 = arith.index_cast %add3A_265 : i32 to index
            %swap3A_267 = arith.constant 96 : index
            %swap3A_268 = tpu.vector_load %arg10[%swap3A_266, %swap3A_267] {strides = array<i32>} : memref<512x128xf32, #tpu.memory_space<vmem>>, vector<16xf32>,
            tpu.vector_store %arg10[%swap3A_266, %swap3A_267], %get3A_264 {strides = array<i32>} : memref<512x128xf32, #tpu.memory_space<vmem>>, vector<16xf32>,
            %get3A_269 = arith.index_cast %while3A_208 : i32 to index
            %get3A_270 = arith.constant 112 : index
            %get3A_271 = tpu.vector_load %arg13[%get3A_269, %get3A_270] {strides = array<i32>} : memref<16x128xf32, #tpu.memory_space<vmem>>, vector<16xf32>,
            %add3A_272 = arith.addi %mul3A_118, %while3A_208 : i32
            %swap3A_273 = arith.index_cast %add3A_272 : i32 to index
            %swap3A_274 = arith.constant 112 : index
            %swap3A_275 = tpu.vector_load %arg10[%swap3A_273, %swap3A_274] {strides = array<i32>} : memref<512x128xf32, #tpu.memory_space<vmem>>, vector<16xf32>,
            tpu.vector_store %arg10[%swap3A_273, %swap3A_274], %get3A_271 {strides = array<i32>} : memref<512x128xf32, #tpu.memory_space<vmem>>, vector<16xf32>,
          } else {
          }
        }
        %add3A_163 = arith.constant 0 : i32
        %add3A_164 = vector.broadcast %add3A_163 : i32 to vector<16xi32>
        %add3A_165 = arith.addi %add3A_164, %min3A_136 : vector<16xi32>
        %dma_start3A_166 = tpu.memref_slice %arg11[%mul3A_118] : memref<512xi32, #tpu.memory_space<vmem>> -> memref<16xi32, #tpu.memory_space<vmem>>
        %dma_start3A_167 = arith.constant 0 : i32
        %dma_start3A_168 = tpu.memref_slice %arg4[%dma_start3A_167] : memref<32768xi32, #tpu.memory_space<hbm>> -> memref<32768xi32, #tpu.memory_space<hbm>>
        tpu.enqueue_indirect_dma source(%dma_start3A_168 : memref<32768xi32, #tpu.memory_space<hbm>>) target(%dma_start3A_166 : memref<16xi32, #tpu.memory_space<vmem>>) offsets(%add3A_165 : vector<16xi32>) semaphore(%arg15 : memref<!tpu.dma_semaphore, #tpu.memory_space<semaphore_mem>>)
        %dma_wait3A_169 = tpu.memref_slice %arg11[%mul3A_118] : memref<512xi32, #tpu.memory_space<vmem>> -> memref<16xi32, #tpu.memory_space<vmem>>
        %dma_wait3A_170 = arith.constant 0 : i32
        %dma_wait3A_171 = tpu.memref_slice %arg4[%dma_wait3A_170] : memref<32768xi32, #tpu.memory_space<hbm>> -> memref<32768xi32, #tpu.memory_space<hbm>>
        tpu.wait_indirect_dma semaphore(%arg15 : memref<!tpu.dma_semaphore, #tpu.memory_space<semaphore_mem>>) src(%dma_wait3A_171 : memref<32768xi32, #tpu.memory_space<hbm>>) dst(%dma_wait3A_169 : memref<16xi32, #tpu.memory_space<vmem>>)
        %add3A_172 = arith.constant 0 : i32
        %add3A_173 = vector.broadcast %add3A_172 : i32 to vector<16xi32>
        %add3A_174 = arith.addi %add3A_173, %add3A_121 : vector<16xi32>
        %dma_start3A_175 = arith.constant 0 : i32
        %dma_start3A_176 = tpu.memref_slice %arg6[%dma_start3A_175] : memref<200000xi32, #tpu.memory_space<hbm>> -> memref<200000xi32, #tpu.memory_space<hbm>>
        tpu.enqueue_indirect_dma source(%dma_start3A_176 : memref<200000xi32, #tpu.memory_space<hbm>>) target(%arg14 : memref<16xi32, #tpu.memory_space<vmem>>) offsets(%add3A_174 : vector<16xi32>) semaphore(%arg15 : memref<!tpu.dma_semaphore, #tpu.memory_space<semaphore_mem>>)
        %dma_wait3A_177 = arith.constant 0 : i32
        %dma_wait3A_178 = tpu.memref_slice %arg6[%dma_wait3A_177] : memref<200000xi32, #tpu.memory_space<hbm>> -> memref<200000xi32, #tpu.memory_space<hbm>>
        tpu.wait_indirect_dma semaphore(%arg15 : memref<!tpu.dma_semaphore, #tpu.memory_space<semaphore_mem>>) src(%dma_wait3A_178 : memref<200000xi32, #tpu.memory_space<hbm>>) dst(%arg14 : memref<16xi32, #tpu.memory_space<vmem>>)
        %get3A_179 = arith.index_cast %mul3A_118 : i32 to index
        %get3A_180 = tpu.vector_load %arg11[%get3A_179] {strides = array<i32>} : memref<512xi32, #tpu.memory_space<vmem>>, vector<16xi32>,
        %get3A_181 = arith.constant 0 : index
        %get3A_182 = tpu.vector_load %arg14[%get3A_181] {strides = array<i32>} : memref<16xi32, #tpu.memory_space<vmem>>, vector<16xi32>,
        %select_n3A_183 = arith.select %and3A_128, %get3A_180, %get3A_182 : vector<16xi1>, vector<16xi32>
        %swap3A = arith.index_cast %mul3A_118 : i32 to index
        %swap3A_184 = tpu.vector_load %arg11[%swap3A] {strides = array<i32>} : memref<512xi32, #tpu.memory_space<vmem>>, vector<16xi32>,
        tpu.vector_store %arg11[%swap3A], %select_n3A_183 {strides = array<i32>} : memref<512xi32, #tpu.memory_space<vmem>>, vector<16xi32>,
        %add3A_185 = arith.constant 16384 : i32
        %add3A_186 = vector.broadcast %add3A_185 : i32 to vector<16xi32>
        %add3A_187 = arith.addi %add3A_186, %min3A_136 : vector<16xi32>
        %dma_start3A_188 = tpu.memref_slice %arg12[%mul3A_118] : memref<512xi32, #tpu.memory_space<vmem>> -> memref<16xi32, #tpu.memory_space<vmem>>
        %dma_start3A_189 = arith.constant 0 : i32
        %dma_start3A_190 = tpu.memref_slice %arg4[%dma_start3A_189] : memref<32768xi32, #tpu.memory_space<hbm>> -> memref<32768xi32, #tpu.memory_space<hbm>>
        tpu.enqueue_indirect_dma source(%dma_start3A_190 : memref<32768xi32, #tpu.memory_space<hbm>>) target(%dma_start3A_188 : memref<16xi32, #tpu.memory_space<vmem>>) offsets(%add3A_187 : vector<16xi32>) semaphore(%arg15 : memref<!tpu.dma_semaphore, #tpu.memory_space<semaphore_mem>>)
        %dma_wait3A_191 = tpu.memref_slice %arg12[%mul3A_118] : memref<512xi32, #tpu.memory_space<vmem>> -> memref<16xi32, #tpu.memory_space<vmem>>
        %dma_wait3A_192 = arith.constant 0 : i32
        %dma_wait3A_193 = tpu.memref_slice %arg4[%dma_wait3A_192] : memref<32768xi32, #tpu.memory_space<hbm>> -> memref<32768xi32, #tpu.memory_space<hbm>>
        tpu.wait_indirect_dma semaphore(%arg15 : memref<!tpu.dma_semaphore, #tpu.memory_space<semaphore_mem>>) src(%dma_wait3A_193 : memref<32768xi32, #tpu.memory_space<hbm>>) dst(%dma_wait3A_191 : memref<16xi32, #tpu.memory_space<vmem>>)
        %add3A_194 = arith.constant 100000 : i32
        %add3A_195 = vector.broadcast %add3A_194 : i32 to vector<16xi32>
        %add3A_196 = arith.addi %add3A_195, %add3A_121 : vector<16xi32>
        %dma_start3A_197 = arith.constant 0 : i32
        %dma_start3A_198 = tpu.memref_slice %arg6[%dma_start3A_197] : memref<200000xi32, #tpu.memory_space<hbm>> -> memref<200000xi32, #tpu.memory_space<hbm>>
        tpu.enqueue_indirect_dma source(%dma_start3A_198 : memref<200000xi32, #tpu.memory_space<hbm>>) target(%arg14 : memref<16xi32, #tpu.memory_space<vmem>>) offsets(%add3A_196 : vector<16xi32>) semaphore(%arg15 : memref<!tpu.dma_semaphore, #tpu.memory_space<semaphore_mem>>)
        %dma_wait3A_199 = arith.constant 0 : i32
        %dma_wait3A_200 = tpu.memref_slice %arg6[%dma_wait3A_199] : memref<200000xi32, #tpu.memory_space<hbm>> -> memref<200000xi32, #tpu.memory_space<hbm>>
        tpu.wait_indirect_dma semaphore(%arg15 : memref<!tpu.dma_semaphore, #tpu.memory_space<semaphore_mem>>) src(%dma_wait3A_200 : memref<200000xi32, #tpu.memory_space<hbm>>) dst(%arg14 : memref<16xi32, #tpu.memory_space<vmem>>)
        %get3A_201 = arith.index_cast %mul3A_118 : i32 to index
        %get3A_202 = tpu.vector_load %arg12[%get3A_201] {strides = array<i32>} : memref<512xi32, #tpu.memory_space<vmem>>, vector<16xi32>,
        %get3A_203 = arith.constant 0 : index
        %get3A_204 = tpu.vector_load %arg14[%get3A_203] {strides = array<i32>} : memref<16xi32, #tpu.memory_space<vmem>>, vector<16xi32>,
        %select_n3A_205 = arith.select %and3A_128, %get3A_202, %get3A_204 : vector<16xi1>, vector<16xi32>
        %swap3A_206 = arith.index_cast %mul3A_118 : i32 to index
        %swap3A_207 = tpu.vector_load %arg12[%swap3A_206] {strides = array<i32>} : memref<512xi32, #tpu.memory_space<vmem>>, vector<16xi32>,
        tpu.vector_store %arg12[%swap3A_206], %select_n3A_205 {strides = array<i32>} : memref<512xi32, #tpu.memory_space<vmem>>, vector<16xi32>,
      }
      %while3A_115 = arith.constant 1 : i32
      scf.for %while3A_116 = %while3A_113 to %while3A_109 step %while3A_115  : i32 {
        %mul3A_117 = arith.constant 16 : i32
        %mul3A_118 = arith.muli %while3A_116, %mul3A_117 : i32
        %add3A_119 = arith.addi %add3A_34, %mul3A_118 : i32
        %add3A_120 = vector.broadcast %add3A_119 : i32 to vector<16xi32>
        %add3A_121 = arith.addi %add3A_120, %iota3A : vector<16xi32>
        %ge3A_122 = vector.broadcast %squeeze3A : i32 to vector<16xi32>
        %ge3A_123 = arith.cmpi sge, %add3A_121, %ge3A_122 : vector<16xi32>
        %add3A_124 = arith.constant 16384 : i32
        %add3A_125 = arith.addi %squeeze3A, %add3A_124 : i32
        %lt3A_126 = vector.broadcast %add3A_125 : i32 to vector<16xi32>
        %lt3A_127 = arith.cmpi slt, %add3A_121, %lt3A_126 : vector<16xi32>
        %and3A_128 = arith.andi %ge3A_123, %lt3A_127 : vector<16xi1>
        %sub3A_129 = vector.broadcast %squeeze3A : i32 to vector<16xi32>
        %sub3A_130 = arith.subi %add3A_121, %sub3A_129 : vector<16xi32>
        %jit3A_131 = arith.constant 0 : i64
        %jit3A_132 = arith.constant 16383 : i64
        %convert_element_type3A_133 = arith.trunci %jit3A_131 : i64 to i32
        %max3A = vector.broadcast %convert_element_type3A_133 : i32 to vector<16xi32>
        %max3A_134 = arith.maxsi %max3A, %sub3A_130 : vector<16xi32>
        %convert_element_type3A_135 = arith.trunci %jit3A_132 : i64 to i32
        %min3A = vector.broadcast %convert_element_type3A_135 : i32 to vector<16xi32>
        %min3A_136 = arith.minsi %min3A, %max3A_134 : vector<16xi32>
        %dma_start3A_137 = arith.constant 0 : i32
        %dma_start3A_138 = tpu.memref_slice %arg10[%mul3A_118, %dma_start3A_137] : memref<512x128xf32, #tpu.memory_space<vmem>> -> memref<16x128xf32, #tpu.memory_space<vmem>>
        %dma_start3A_139 = arith.constant 0 : i32
        %dma_start3A_140 = arith.constant 0 : i32
        %dma_start3A_141 = tpu.memref_slice %arg3[%dma_start3A_139, %dma_start3A_140] : memref<16384x128xf32, #tpu.memory_space<hbm>> -> memref<16384x128xf32, #tpu.memory_space<hbm>>
        tpu.enqueue_indirect_dma source(%dma_start3A_141 : memref<16384x128xf32, #tpu.memory_space<hbm>>) target(%dma_start3A_138 : memref<16x128xf32, #tpu.memory_space<vmem>>) offsets(%min3A_136 : vector<16xi32>) semaphore(%arg15 : memref<!tpu.dma_semaphore, #tpu.memory_space<semaphore_mem>>)
        %dma_wait3A = arith.constant 0 : i32
        %dma_wait3A_142 = tpu.memref_slice %arg10[%mul3A_118, %dma_wait3A] : memref<512x128xf32, #tpu.memory_space<vmem>> -> memref<16x128xf32, #tpu.memory_space<vmem>>
        %dma_wait3A_143 = arith.constant 0 : i32
        %dma_wait3A_144 = arith.constant 0 : i32
        %dma_wait3A_145 = tpu.memref_slice %arg3[%dma_wait3A_143, %dma_wait3A_144] : memref<16384x128xf32, #tpu.memory_space<hbm>> -> memref<16384x128xf32, #tpu.memory_space<hbm>>
        tpu.wait_indirect_dma semaphore(%arg15 : memref<!tpu.dma_semaphore, #tpu.memory_space<semaphore_mem>>) src(%dma_wait3A_145 : memref<16384x128xf32, #tpu.memory_space<hbm>>) dst(%dma_wait3A_142 : memref<16x128xf32, #tpu.memory_space<vmem>>)
        %dma_start3A_146 = arith.constant 0 : i32
        %dma_start3A_147 = arith.constant 0 : i32
        %dma_start3A_148 = tpu.memref_slice %arg5[%dma_start3A_146, %dma_start3A_147] : memref<100000x128xf32, #tpu.memory_space<hbm>> -> memref<100000x128xf32, #tpu.memory_space<hbm>>
        tpu.enqueue_indirect_dma source(%dma_start3A_148 : memref<100000x128xf32, #tpu.memory_space<hbm>>) target(%arg13 : memref<16x128xf32, #tpu.memory_space<vmem>>) offsets(%add3A_121 : vector<16xi32>) semaphore(%arg15 : memref<!tpu.dma_semaphore, #tpu.memory_space<semaphore_mem>>)
        %dma_wait3A_149 = arith.constant 0 : i32
        %dma_wait3A_150 = arith.constant 0 : i32
        %dma_wait3A_151 = tpu.memref_slice %arg5[%dma_wait3A_149, %dma_wait3A_150] : memref<100000x128xf32, #tpu.memory_space<hbm>> -> memref<100000x128xf32, #tpu.memory_space<hbm>>
        tpu.wait_indirect_dma semaphore(%arg15 : memref<!tpu.dma_semaphore, #tpu.memory_space<semaphore_mem>>) src(%dma_wait3A_151 : memref<100000x128xf32, #tpu.memory_space<hbm>>) dst(%arg13 : memref<16x128xf32, #tpu.memory_space<vmem>>)
        %while3A_152 = arith.constant 0 : i32
        %while3A_153 = arith.constant 0 : i32
        %while3A_154 = arith.constant 16 : i32
        %while3A_155 = arith.subi %while3A_154, %while3A_153 : i32
        %while3A_156 = arith.addi %while3A_153, %while3A_155 : i32
        %while3A_157 = arith.constant 1 : i32
        %while3A_158 = arith.divsi %while3A_155, %while3A_157 : i32
        %while3A_159 = arith.muli %while3A_158, %while3A_157 : i32
        %while3A_160 = arith.addi %while3A_153, %while3A_159 : i32
        %while3A_161 = arith.constant 1 : i32
        scf.for %while3A_208 = %while3A_153 to %while3A_160 step %while3A_161  : i32 {
          %add3A_209 = arith.addi %add3A_119, %while3A_208 : i32
          %ge3A_210 = arith.cmpi sge, %add3A_209, %squeeze3A : i32
          %add3A_211 = arith.constant 16384 : i32
          %add3A_212 = arith.addi %squeeze3A, %add3A_211 : i32
          %lt3A_213 = arith.cmpi slt, %add3A_209, %add3A_212 : i32
          %and3A_214 = arith.andi %ge3A_210, %lt3A_213 : i1
          %not3A_215 = arith.constant true
          %not3A_216 = arith.xori %and3A_214, %not3A_215 : i1
          %convert_element_type3A_217 = arith.extui %not3A_216 : i1 to i32
          %cond3A_218 = arith.constant 0 : i32
          %cond3A_219 = arith.cmpi ne, %convert_element_type3A_217, %cond3A_218 : i32
          scf.if %cond3A_219 {
            %get3A_220 = arith.index_cast %while3A_208 : i32 to index
            %get3A_221 = arith.constant 0 : index
            %get3A_222 = tpu.vector_load %arg13[%get3A_220, %get3A_221] {strides = array<i32>} : memref<16x128xf32, #tpu.memory_space<vmem>>, vector<16xf32>,
            %add3A_223 = arith.addi %mul3A_118, %while3A_208 : i32
            %swap3A_224 = arith.index_cast %add3A_223 : i32 to index
            %swap3A_225 = arith.constant 0 : index
            %swap3A_226 = tpu.vector_load %arg10[%swap3A_224, %swap3A_225] {strides = array<i32>} : memref<512x128xf32, #tpu.memory_space<vmem>>, vector<16xf32>,
            tpu.vector_store %arg10[%swap3A_224, %swap3A_225], %get3A_222 {strides = array<i32>} : memref<512x128xf32, #tpu.memory_space<vmem>>, vector<16xf32>,
            %get3A_227 = arith.index_cast %while3A_208 : i32 to index
            %get3A_228 = arith.constant 16 : index
            %get3A_229 = tpu.vector_load %arg13[%get3A_227, %get3A_228] {strides = array<i32>} : memref<16x128xf32, #tpu.memory_space<vmem>>, vector<16xf32>,
            %add3A_230 = arith.addi %mul3A_118, %while3A_208 : i32
            %swap3A_231 = arith.index_cast %add3A_230 : i32 to index
            %swap3A_232 = arith.constant 16 : index
            %swap3A_233 = tpu.vector_load %arg10[%swap3A_231, %swap3A_232] {strides = array<i32>} : memref<512x128xf32, #tpu.memory_space<vmem>>, vector<16xf32>,
            tpu.vector_store %arg10[%swap3A_231, %swap3A_232], %get3A_229 {strides = array<i32>} : memref<512x128xf32, #tpu.memory_space<vmem>>, vector<16xf32>,
            %get3A_234 = arith.index_cast %while3A_208 : i32 to index
            %get3A_235 = arith.constant 32 : index
            %get3A_236 = tpu.vector_load %arg13[%get3A_234, %get3A_235] {strides = array<i32>} : memref<16x128xf32, #tpu.memory_space<vmem>>, vector<16xf32>,
            %add3A_237 = arith.addi %mul3A_118, %while3A_208 : i32
            %swap3A_238 = arith.index_cast %add3A_237 : i32 to index
            %swap3A_239 = arith.constant 32 : index
            %swap3A_240 = tpu.vector_load %arg10[%swap3A_238, %swap3A_239] {strides = array<i32>} : memref<512x128xf32, #tpu.memory_space<vmem>>, vector<16xf32>,
            tpu.vector_store %arg10[%swap3A_238, %swap3A_239], %get3A_236 {strides = array<i32>} : memref<512x128xf32, #tpu.memory_space<vmem>>, vector<16xf32>,
            %get3A_241 = arith.index_cast %while3A_208 : i32 to index
            %get3A_242 = arith.constant 48 : index
            %get3A_243 = tpu.vector_load %arg13[%get3A_241, %get3A_242] {strides = array<i32>} : memref<16x128xf32, #tpu.memory_space<vmem>>, vector<16xf32>,
            %add3A_244 = arith.addi %mul3A_118, %while3A_208 : i32
            %swap3A_245 = arith.index_cast %add3A_244 : i32 to index
            %swap3A_246 = arith.constant 48 : index
            %swap3A_247 = tpu.vector_load %arg10[%swap3A_245, %swap3A_246] {strides = array<i32>} : memref<512x128xf32, #tpu.memory_space<vmem>>, vector<16xf32>,
            tpu.vector_store %arg10[%swap3A_245, %swap3A_246], %get3A_243 {strides = array<i32>} : memref<512x128xf32, #tpu.memory_space<vmem>>, vector<16xf32>,
            %get3A_248 = arith.index_cast %while3A_208 : i32 to index
            %get3A_249 = arith.constant 64 : index
            %get3A_250 = tpu.vector_load %arg13[%get3A_248, %get3A_249] {strides = array<i32>} : memref<16x128xf32, #tpu.memory_space<vmem>>, vector<16xf32>,
            %add3A_251 = arith.addi %mul3A_118, %while3A_208 : i32
            %swap3A_252 = arith.index_cast %add3A_251 : i32 to index
            %swap3A_253 = arith.constant 64 : index
            %swap3A_254 = tpu.vector_load %arg10[%swap3A_252, %swap3A_253] {strides = array<i32>} : memref<512x128xf32, #tpu.memory_space<vmem>>, vector<16xf32>,
            tpu.vector_store %arg10[%swap3A_252, %swap3A_253], %get3A_250 {strides = array<i32>} : memref<512x128xf32, #tpu.memory_space<vmem>>, vector<16xf32>,
            %get3A_255 = arith.index_cast %while3A_208 : i32 to index
            %get3A_256 = arith.constant 80 : index
            %get3A_257 = tpu.vector_load %arg13[%get3A_255, %get3A_256] {strides = array<i32>} : memref<16x128xf32, #tpu.memory_space<vmem>>, vector<16xf32>,
            %add3A_258 = arith.addi %mul3A_118, %while3A_208 : i32
            %swap3A_259 = arith.index_cast %add3A_258 : i32 to index
            %swap3A_260 = arith.constant 80 : index
            %swap3A_261 = tpu.vector_load %arg10[%swap3A_259, %swap3A_260] {strides = array<i32>} : memref<512x128xf32, #tpu.memory_space<vmem>>, vector<16xf32>,
            tpu.vector_store %arg10[%swap3A_259, %swap3A_260], %get3A_257 {strides = array<i32>} : memref<512x128xf32, #tpu.memory_space<vmem>>, vector<16xf32>,
            %get3A_262 = arith.index_cast %while3A_208 : i32 to index
            %get3A_263 = arith.constant 96 : index
            %get3A_264 = tpu.vector_load %arg13[%get3A_262, %get3A_263] {strides = array<i32>} : memref<16x128xf32, #tpu.memory_space<vmem>>, vector<16xf32>,
            %add3A_265 = arith.addi %mul3A_118, %while3A_208 : i32
            %swap3A_266 = arith.index_cast %add3A_265 : i32 to index
            %swap3A_267 = arith.constant 96 : index
            %swap3A_268 = tpu.vector_load %arg10[%swap3A_266, %swap3A_267] {strides = array<i32>} : memref<512x128xf32, #tpu.memory_space<vmem>>, vector<16xf32>,
            tpu.vector_store %arg10[%swap3A_266, %swap3A_267], %get3A_264 {strides = array<i32>} : memref<512x128xf32, #tpu.memory_space<vmem>>, vector<16xf32>,
            %get3A_269 = arith.index_cast %while3A_208 : i32 to index
            %get3A_270 = arith.constant 112 : index
            %get3A_271 = tpu.vector_load %arg13[%get3A_269, %get3A_270] {strides = array<i32>} : memref<16x128xf32, #tpu.memory_space<vmem>>, vector<16xf32>,
            %add3A_272 = arith.addi %mul3A_118, %while3A_208 : i32
            %swap3A_273 = arith.index_cast %add3A_272 : i32 to index
            %swap3A_274 = arith.constant 112 : index
            %swap3A_275 = tpu.vector_load %arg10[%swap3A_273, %swap3A_274] {strides = array<i32>} : memref<512x128xf32, #tpu.memory_space<vmem>>, vector<16xf32>,
            tpu.vector_store %arg10[%swap3A_273, %swap3A_274], %get3A_271 {strides = array<i32>} : memref<512x128xf32, #tpu.memory_space<vmem>>, vector<16xf32>,
          } else {
          }
        }
        %while3A_162 = arith.constant 1 : i32
        scf.for %while3A_208 = %while3A_160 to %while3A_156 step %while3A_162  : i32 {
          %add3A_209 = arith.addi %add3A_119, %while3A_208 : i32
          %ge3A_210 = arith.cmpi sge, %add3A_209, %squeeze3A : i32
          %add3A_211 = arith.constant 16384 : i32
          %add3A_212 = arith.addi %squeeze3A, %add3A_211 : i32
          %lt3A_213 = arith.cmpi slt, %add3A_209, %add3A_212 : i32
          %and3A_214 = arith.andi %ge3A_210, %lt3A_213 : i1
          %not3A_215 = arith.constant true
          %not3A_216 = arith.xori %and3A_214, %not3A_215 : i1
          %convert_element_type3A_217 = arith.extui %not3A_216 : i1 to i32
          %cond3A_218 = arith.constant 0 : i32
          %cond3A_219 = arith.cmpi ne, %convert_element_type3A_217, %cond3A_218 : i32
          scf.if %cond3A_219 {
            %get3A_220 = arith.index_cast %while3A_208 : i32 to index
            %get3A_221 = arith.constant 0 : index
            %get3A_222 = tpu.vector_load %arg13[%get3A_220, %get3A_221] {strides = array<i32>} : memref<16x128xf32, #tpu.memory_space<vmem>>, vector<16xf32>,
            %add3A_223 = arith.addi %mul3A_118, %while3A_208 : i32
            %swap3A_224 = arith.index_cast %add3A_223 : i32 to index
            %swap3A_225 = arith.constant 0 : index
            %swap3A_226 = tpu.vector_load %arg10[%swap3A_224, %swap3A_225] {strides = array<i32>} : memref<512x128xf32, #tpu.memory_space<vmem>>, vector<16xf32>,
            tpu.vector_store %arg10[%swap3A_224, %swap3A_225], %get3A_222 {strides = array<i32>} : memref<512x128xf32, #tpu.memory_space<vmem>>, vector<16xf32>,
            %get3A_227 = arith.index_cast %while3A_208 : i32 to index
            %get3A_228 = arith.constant 16 : index
            %get3A_229 = tpu.vector_load %arg13[%get3A_227, %get3A_228] {strides = array<i32>} : memref<16x128xf32, #tpu.memory_space<vmem>>, vector<16xf32>,
            %add3A_230 = arith.addi %mul3A_118, %while3A_208 : i32
            %swap3A_231 = arith.index_cast %add3A_230 : i32 to index
            %swap3A_232 = arith.constant 16 : index
            %swap3A_233 = tpu.vector_load %arg10[%swap3A_231, %swap3A_232] {strides = array<i32>} : memref<512x128xf32, #tpu.memory_space<vmem>>, vector<16xf32>,
            tpu.vector_store %arg10[%swap3A_231, %swap3A_232], %get3A_229 {strides = array<i32>} : memref<512x128xf32, #tpu.memory_space<vmem>>, vector<16xf32>,
            %get3A_234 = arith.index_cast %while3A_208 : i32 to index
            %get3A_235 = arith.constant 32 : index
            %get3A_236 = tpu.vector_load %arg13[%get3A_234, %get3A_235] {strides = array<i32>} : memref<16x128xf32, #tpu.memory_space<vmem>>, vector<16xf32>,
            %add3A_237 = arith.addi %mul3A_118, %while3A_208 : i32
            %swap3A_238 = arith.index_cast %add3A_237 : i32 to index
            %swap3A_239 = arith.constant 32 : index
            %swap3A_240 = tpu.vector_load %arg10[%swap3A_238, %swap3A_239] {strides = array<i32>} : memref<512x128xf32, #tpu.memory_space<vmem>>, vector<16xf32>,
            tpu.vector_store %arg10[%swap3A_238, %swap3A_239], %get3A_236 {strides = array<i32>} : memref<512x128xf32, #tpu.memory_space<vmem>>, vector<16xf32>,
            %get3A_241 = arith.index_cast %while3A_208 : i32 to index
            %get3A_242 = arith.constant 48 : index
            %get3A_243 = tpu.vector_load %arg13[%get3A_241, %get3A_242] {strides = array<i32>} : memref<16x128xf32, #tpu.memory_space<vmem>>, vector<16xf32>,
            %add3A_244 = arith.addi %mul3A_118, %while3A_208 : i32
            %swap3A_245 = arith.index_cast %add3A_244 : i32 to index
            %swap3A_246 = arith.constant 48 : index
            %swap3A_247 = tpu.vector_load %arg10[%swap3A_245, %swap3A_246] {strides = array<i32>} : memref<512x128xf32, #tpu.memory_space<vmem>>, vector<16xf32>,
            tpu.vector_store %arg10[%swap3A_245, %swap3A_246], %get3A_243 {strides = array<i32>} : memref<512x128xf32, #tpu.memory_space<vmem>>, vector<16xf32>,
            %get3A_248 = arith.index_cast %while3A_208 : i32 to index
            %get3A_249 = arith.constant 64 : index
            %get3A_250 = tpu.vector_load %arg13[%get3A_248, %get3A_249] {strides = array<i32>} : memref<16x128xf32, #tpu.memory_space<vmem>>, vector<16xf32>,
            %add3A_251 = arith.addi %mul3A_118, %while3A_208 : i32
            %swap3A_252 = arith.index_cast %add3A_251 : i32 to index
            %swap3A_253 = arith.constant 64 : index
            %swap3A_254 = tpu.vector_load %arg10[%swap3A_252, %swap3A_253] {strides = array<i32>} : memref<512x128xf32, #tpu.memory_space<vmem>>, vector<16xf32>,
            tpu.vector_store %arg10[%swap3A_252, %swap3A_253], %get3A_250 {strides = array<i32>} : memref<512x128xf32, #tpu.memory_space<vmem>>, vector<16xf32>,
            %get3A_255 = arith.index_cast %while3A_208 : i32 to index
            %get3A_256 = arith.constant 80 : index
            %get3A_257 = tpu.vector_load %arg13[%get3A_255, %get3A_256] {strides = array<i32>} : memref<16x128xf32, #tpu.memory_space<vmem>>, vector<16xf32>,
            %add3A_258 = arith.addi %mul3A_118, %while3A_208 : i32
            %swap3A_259 = arith.index_cast %add3A_258 : i32 to index
            %swap3A_260 = arith.constant 80 : index
            %swap3A_261 = tpu.vector_load %arg10[%swap3A_259, %swap3A_260] {strides = array<i32>} : memref<512x128xf32, #tpu.memory_space<vmem>>, vector<16xf32>,
            tpu.vector_store %arg10[%swap3A_259, %swap3A_260], %get3A_257 {strides = array<i32>} : memref<512x128xf32, #tpu.memory_space<vmem>>, vector<16xf32>,
            %get3A_262 = arith.index_cast %while3A_208 : i32 to index
            %get3A_263 = arith.constant 96 : index
            %get3A_264 = tpu.vector_load %arg13[%get3A_262, %get3A_263] {strides = array<i32>} : memref<16x128xf32, #tpu.memory_space<vmem>>, vector<16xf32>,
            %add3A_265 = arith.addi %mul3A_118, %while3A_208 : i32
            %swap3A_266 = arith.index_cast %add3A_265 : i32 to index
            %swap3A_267 = arith.constant 96 : index
            %swap3A_268 = tpu.vector_load %arg10[%swap3A_266, %swap3A_267] {strides = array<i32>} : memref<512x128xf32, #tpu.memory_space<vmem>>, vector<16xf32>,
            tpu.vector_store %arg10[%swap3A_266, %swap3A_267], %get3A_264 {strides = array<i32>} : memref<512x128xf32, #tpu.memory_space<vmem>>, vector<16xf32>,
            %get3A_269 = arith.index_cast %while3A_208 : i32 to index
            %get3A_270 = arith.constant 112 : index
            %get3A_271 = tpu.vector_load %arg13[%get3A_269, %get3A_270] {strides = array<i32>} : memref<16x128xf32, #tpu.memory_space<vmem>>, vector<16xf32>,
            %add3A_272 = arith.addi %mul3A_118, %while3A_208 : i32
            %swap3A_273 = arith.index_cast %add3A_272 : i32 to index
            %swap3A_274 = arith.constant 112 : index
            %swap3A_275 = tpu.vector_load %arg10[%swap3A_273, %swap3A_274] {strides = array<i32>} : memref<512x128xf32, #tpu.memory_space<vmem>>, vector<16xf32>,
            tpu.vector_store %arg10[%swap3A_273, %swap3A_274], %get3A_271 {strides = array<i32>} : memref<512x128xf32, #tpu.memory_space<vmem>>, vector<16xf32>,
          } else {
          }
        }
        %add3A_163 = arith.constant 0 : i32
        %add3A_164 = vector.broadcast %add3A_163 : i32 to vector<16xi32>
        %add3A_165 = arith.addi %add3A_164, %min3A_136 : vector<16xi32>
        %dma_start3A_166 = tpu.memref_slice %arg11[%mul3A_118] : memref<512xi32, #tpu.memory_space<vmem>> -> memref<16xi32, #tpu.memory_space<vmem>>
        %dma_start3A_167 = arith.constant 0 : i32
        %dma_start3A_168 = tpu.memref_slice %arg4[%dma_start3A_167] : memref<32768xi32, #tpu.memory_space<hbm>> -> memref<32768xi32, #tpu.memory_space<hbm>>
        tpu.enqueue_indirect_dma source(%dma_start3A_168 : memref<32768xi32, #tpu.memory_space<hbm>>) target(%dma_start3A_166 : memref<16xi32, #tpu.memory_space<vmem>>) offsets(%add3A_165 : vector<16xi32>) semaphore(%arg15 : memref<!tpu.dma_semaphore, #tpu.memory_space<semaphore_mem>>)
        %dma_wait3A_169 = tpu.memref_slice %arg11[%mul3A_118] : memref<512xi32, #tpu.memory_space<vmem>> -> memref<16xi32, #tpu.memory_space<vmem>>
        %dma_wait3A_170 = arith.constant 0 : i32
        %dma_wait3A_171 = tpu.memref_slice %arg4[%dma_wait3A_170] : memref<32768xi32, #tpu.memory_space<hbm>> -> memref<32768xi32, #tpu.memory_space<hbm>>
        tpu.wait_indirect_dma semaphore(%arg15 : memref<!tpu.dma_semaphore, #tpu.memory_space<semaphore_mem>>) src(%dma_wait3A_171 : memref<32768xi32, #tpu.memory_space<hbm>>) dst(%dma_wait3A_169 : memref<16xi32, #tpu.memory_space<vmem>>)
        %add3A_172 = arith.constant 0 : i32
        %add3A_173 = vector.broadcast %add3A_172 : i32 to vector<16xi32>
        %add3A_174 = arith.addi %add3A_173, %add3A_121 : vector<16xi32>
        %dma_start3A_175 = arith.constant 0 : i32
        %dma_start3A_176 = tpu.memref_slice %arg6[%dma_start3A_175] : memref<200000xi32, #tpu.memory_space<hbm>> -> memref<200000xi32, #tpu.memory_space<hbm>>
        tpu.enqueue_indirect_dma source(%dma_start3A_176 : memref<200000xi32, #tpu.memory_space<hbm>>) target(%arg14 : memref<16xi32, #tpu.memory_space<vmem>>) offsets(%add3A_174 : vector<16xi32>) semaphore(%arg15 : memref<!tpu.dma_semaphore, #tpu.memory_space<semaphore_mem>>)
        %dma_wait3A_177 = arith.constant 0 : i32
        %dma_wait3A_178 = tpu.memref_slice %arg6[%dma_wait3A_177] : memref<200000xi32, #tpu.memory_space<hbm>> -> memref<200000xi32, #tpu.memory_space<hbm>>
        tpu.wait_indirect_dma semaphore(%arg15 : memref<!tpu.dma_semaphore, #tpu.memory_space<semaphore_mem>>) src(%dma_wait3A_178 : memref<200000xi32, #tpu.memory_space<hbm>>) dst(%arg14 : memref<16xi32, #tpu.memory_space<vmem>>)
        %get3A_179 = arith.index_cast %mul3A_118 : i32 to index
        %get3A_180 = tpu.vector_load %arg11[%get3A_179] {strides = array<i32>} : memref<512xi32, #tpu.memory_space<vmem>>, vector<16xi32>,
        %get3A_181 = arith.constant 0 : index
        %get3A_182 = tpu.vector_load %arg14[%get3A_181] {strides = array<i32>} : memref<16xi32, #tpu.memory_space<vmem>>, vector<16xi32>,
        %select_n3A_183 = arith.select %and3A_128, %get3A_180, %get3A_182 : vector<16xi1>, vector<16xi32>
        %swap3A = arith.index_cast %mul3A_118 : i32 to index
        %swap3A_184 = tpu.vector_load %arg11[%swap3A] {strides = array<i32>} : memref<512xi32, #tpu.memory_space<vmem>>, vector<16xi32>,
        tpu.vector_store %arg11[%swap3A], %select_n3A_183 {strides = array<i32>} : memref<512xi32, #tpu.memory_space<vmem>>, vector<16xi32>,
        %add3A_185 = arith.constant 16384 : i32
        %add3A_186 = vector.broadcast %add3A_185 : i32 to vector<16xi32>
        %add3A_187 = arith.addi %add3A_186, %min3A_136 : vector<16xi32>
        %dma_start3A_188 = tpu.memref_slice %arg12[%mul3A_118] : memref<512xi32, #tpu.memory_space<vmem>> -> memref<16xi32, #tpu.memory_space<vmem>>
        %dma_start3A_189 = arith.constant 0 : i32
        %dma_start3A_190 = tpu.memref_slice %arg4[%dma_start3A_189] : memref<32768xi32, #tpu.memory_space<hbm>> -> memref<32768xi32, #tpu.memory_space<hbm>>
        tpu.enqueue_indirect_dma source(%dma_start3A_190 : memref<32768xi32, #tpu.memory_space<hbm>>) target(%dma_start3A_188 : memref<16xi32, #tpu.memory_space<vmem>>) offsets(%add3A_187 : vector<16xi32>) semaphore(%arg15 : memref<!tpu.dma_semaphore, #tpu.memory_space<semaphore_mem>>)
        %dma_wait3A_191 = tpu.memref_slice %arg12[%mul3A_118] : memref<512xi32, #tpu.memory_space<vmem>> -> memref<16xi32, #tpu.memory_space<vmem>>
        %dma_wait3A_192 = arith.constant 0 : i32
        %dma_wait3A_193 = tpu.memref_slice %arg4[%dma_wait3A_192] : memref<32768xi32, #tpu.memory_space<hbm>> -> memref<32768xi32, #tpu.memory_space<hbm>>
        tpu.wait_indirect_dma semaphore(%arg15 : memref<!tpu.dma_semaphore, #tpu.memory_space<semaphore_mem>>) src(%dma_wait3A_193 : memref<32768xi32, #tpu.memory_space<hbm>>) dst(%dma_wait3A_191 : memref<16xi32, #tpu.memory_space<vmem>>)
        %add3A_194 = arith.constant 100000 : i32
        %add3A_195 = vector.broadcast %add3A_194 : i32 to vector<16xi32>
        %add3A_196 = arith.addi %add3A_195, %add3A_121 : vector<16xi32>
        %dma_start3A_197 = arith.constant 0 : i32
        %dma_start3A_198 = tpu.memref_slice %arg6[%dma_start3A_197] : memref<200000xi32, #tpu.memory_space<hbm>> -> memref<200000xi32, #tpu.memory_space<hbm>>
        tpu.enqueue_indirect_dma source(%dma_start3A_198 : memref<200000xi32, #tpu.memory_space<hbm>>) target(%arg14 : memref<16xi32, #tpu.memory_space<vmem>>) offsets(%add3A_196 : vector<16xi32>) semaphore(%arg15 : memref<!tpu.dma_semaphore, #tpu.memory_space<semaphore_mem>>)
        %dma_wait3A_199 = arith.constant 0 : i32
        %dma_wait3A_200 = tpu.memref_slice %arg6[%dma_wait3A_199] : memref<200000xi32, #tpu.memory_space<hbm>> -> memref<200000xi32, #tpu.memory_space<hbm>>
        tpu.wait_indirect_dma semaphore(%arg15 : memref<!tpu.dma_semaphore, #tpu.memory_space<semaphore_mem>>) src(%dma_wait3A_200 : memref<200000xi32, #tpu.memory_space<hbm>>) dst(%arg14 : memref<16xi32, #tpu.memory_space<vmem>>)
        %get3A_201 = arith.index_cast %mul3A_118 : i32 to index
        %get3A_202 = tpu.vector_load %arg12[%get3A_201] {strides = array<i32>} : memref<512xi32, #tpu.memory_space<vmem>>, vector<16xi32>,
        %get3A_203 = arith.constant 0 : index
        %get3A_204 = tpu.vector_load %arg14[%get3A_203] {strides = array<i32>} : memref<16xi32, #tpu.memory_space<vmem>>, vector<16xi32>,
        %select_n3A_205 = arith.select %and3A_128, %get3A_202, %get3A_204 : vector<16xi1>, vector<16xi32>
        %swap3A_206 = arith.index_cast %mul3A_118 : i32 to index
        %swap3A_207 = tpu.vector_load %arg12[%swap3A_206] {strides = array<i32>} : memref<512xi32, #tpu.memory_space<vmem>>, vector<16xi32>,
        tpu.vector_store %arg12[%swap3A_206], %select_n3A_205 {strides = array<i32>} : memref<512xi32, #tpu.memory_space<vmem>>, vector<16xi32>,
      }
    } else {
    }
    %not3A_101 = arith.constant true
    %not3A_102 = arith.xori %eq3A, %not3A_101 : i1
    %convert_element_type3A_103 = arith.extui %not3A_102 : i1 to i32
    %cond3A_104 = arith.constant 0 : i32
    %cond3A_105 = arith.cmpi ne, %convert_element_type3A_103, %cond3A_104 : i32
    scf.if %cond3A_105 {
      "tpu.region"() ({
        %run_scoped3A = tpu.sem_alloc : memref<!tpu.dma_semaphore, #tpu.memory_space<semaphore_mem>>
        %dma_start3A_108 = arith.constant 0 : i32
        %dma_start3A_109 = tpu.memref_slice %arg7[%multiple_of3A, %dma_start3A_108] : memref<16384x128xf32, #tpu.memory_space<hbm>> -> memref<512x128xf32, #tpu.memory_space<hbm>>
        %dma_start3A_110 = arith.constant 0 : i32
        %dma_start3A_111 = tpu.memref_slice %arg7[%multiple_of3A, %dma_start3A_110] : memref<16384x128xf32, #tpu.memory_space<hbm>> -> memref<512x128xf32, #tpu.memory_space<hbm>>
        tpu.enqueue_dma source(%arg10 : memref<512x128xf32, #tpu.memory_space<vmem>>) target(%dma_start3A_111 : memref<512x128xf32, #tpu.memory_space<hbm>>) target_semaphore(%run_scoped3A : memref<!tpu.dma_semaphore, #tpu.memory_space<semaphore_mem>>)
        %dma_wait3A = arith.constant 0 : i32
        %dma_wait3A_112 = tpu.memref_slice %arg7[%multiple_of3A, %dma_wait3A] : memref<16384x128xf32, #tpu.memory_space<hbm>> -> memref<512x128xf32, #tpu.memory_space<hbm>>
        %dma_wait3A_113 = arith.constant 0 : i32
        %dma_wait3A_114 = tpu.memref_slice %arg7[%multiple_of3A, %dma_wait3A_113] : memref<16384x128xf32, #tpu.memory_space<hbm>> -> memref<512x128xf32, #tpu.memory_space<hbm>>
        tpu.wait_dma2 semaphore(%run_scoped3A : memref<!tpu.dma_semaphore, #tpu.memory_space<semaphore_mem>>) src(%arg10 : memref<512x128xf32, #tpu.memory_space<vmem>>) dst(%dma_wait3A_114 : memref<512x128xf32, #tpu.memory_space<hbm>>)
        tpu.yield
      }) : () -> ()
      "tpu.region"() ({
        %run_scoped3A = tpu.sem_alloc : memref<!tpu.dma_semaphore, #tpu.memory_space<semaphore_mem>>
        %dma_start3A_108 = tpu.memref_slice %arg8[%multiple_of3A] : memref<32768xi32, #tpu.memory_space<hbm>> -> memref<512xi32, #tpu.memory_space<hbm>>
        %dma_start3A_109 = tpu.memref_slice %arg8[%multiple_of3A] : memref<32768xi32, #tpu.memory_space<hbm>> -> memref<512xi32, #tpu.memory_space<hbm>>
        tpu.enqueue_dma source(%arg11 : memref<512xi32, #tpu.memory_space<vmem>>) target(%dma_start3A_109 : memref<512xi32, #tpu.memory_space<hbm>>) target_semaphore(%run_scoped3A : memref<!tpu.dma_semaphore, #tpu.memory_space<semaphore_mem>>)
        %dma_wait3A = tpu.memref_slice %arg8[%multiple_of3A] : memref<32768xi32, #tpu.memory_space<hbm>> -> memref<512xi32, #tpu.memory_space<hbm>>
        %dma_wait3A_110 = tpu.memref_slice %arg8[%multiple_of3A] : memref<32768xi32, #tpu.memory_space<hbm>> -> memref<512xi32, #tpu.memory_space<hbm>>
        tpu.wait_dma2 semaphore(%run_scoped3A : memref<!tpu.dma_semaphore, #tpu.memory_space<semaphore_mem>>) src(%arg11 : memref<512xi32, #tpu.memory_space<vmem>>) dst(%dma_wait3A_110 : memref<512xi32, #tpu.memory_space<hbm>>)
        tpu.yield
      }) : () -> ()
      %add3A_106 = arith.constant 16384 : i32
      %add3A_107 = arith.addi %add3A_106, %multiple_of3A : i32
      "tpu.region"() ({
        %run_scoped3A = tpu.sem_alloc : memref<!tpu.dma_semaphore, #tpu.memory_space<semaphore_mem>>
        %dma_start3A_108 = tpu.memref_slice %arg8[%add3A_107] : memref<32768xi32, #tpu.memory_space<hbm>> -> memref<512xi32, #tpu.memory_space<hbm>>
        %dma_start3A_109 = tpu.memref_slice %arg8[%add3A_107] : memref<32768xi32, #tpu.memory_space<hbm>> -> memref<512xi32, #tpu.memory_space<hbm>>
        tpu.enqueue_dma source(%arg12 : memref<512xi32, #tpu.memory_space<vmem>>) target(%dma_start3A_109 : memref<512xi32, #tpu.memory_space<hbm>>) target_semaphore(%run_scoped3A : memref<!tpu.dma_semaphore, #tpu.memory_space<semaphore_mem>>)
        %dma_wait3A = tpu.memref_slice %arg8[%add3A_107] : memref<32768xi32, #tpu.memory_space<hbm>> -> memref<512xi32, #tpu.memory_space<hbm>>
        %dma_wait3A_110 = tpu.memref_slice %arg8[%add3A_107] : memref<32768xi32, #tpu.memory_space<hbm>> -> memref<512xi32, #tpu.memory_space<hbm>>
        tpu.wait_dma2 semaphore(%run_scoped3A : memref<!tpu.dma_semaphore, #tpu.memory_space<semaphore_mem>>) src(%arg12 : memref<512xi32, #tpu.memory_space<vmem>>) dst(%dma_wait3A_110 : memref<512xi32, #tpu.memory_space<hbm>>)
        tpu.yield
      }) : () -> ()
    } else {
    }
    return
  }
}

</mosaic_0001>

<sc_bundles>
// kernel: kernel.3.cloned.1.call-start
scs
__scs_entry_jumppad:
0x0: {  	(pc) =	sbr.rel $0x88, $3  }
0x1: {  	(tag) =	ssettag $0x0;
	lr =	simm.s32 $0x1  }
0x2: {  	[smem:$0x3F9B] =	sst lr;
	_ =	strace $0xD0000000  }
0x3: {  	_ = 	snop  }
0x4: {  	_ = 	snop  }
0x5: {  	_ = 	snop  }
0x6: {  	_ = 	snop  }
0x7: {  	_ = 	snop  }
__scs_overlays_trampoline_lowered:
0x8: {  	[smem:$0x3FAA] =	sst s0  }
0x9: {  	[smem:$0x3FAB] =	sst s1  }
0xa: {  	[smem:$0x3FAC] =	sst s2  }
0xb: {  	[smem:$0x3FAD] =	sst s3  }
0xc: {  	[smem:$0x3FAE] =	sst s4  }
0xd: {  	[smem:$0x3FAF] =	sst s5  }
0xe: {  	[smem:$0x3FB0] =	sst s6  }
0xf: {  	[smem:$0x3FB1] =	sst s7  }
0x10: {  	[smem:$0x3FB2] =	sst s8  }
0x11: {  	[smem:$0x3FB3] =	sst s9;
	s0 =	simm.s32 @!p0 $0x0  }
0x12: {  	s1 =	sld [smem:$0x3F99];
	s0 =	simm.s32 @p0 $0x1  }
0x13: {  	[smem:$0x3FB4] =	sst s0;
	s0 =	simm.s32 @!p1 $0x0  }
0x14: {  	s2 =	sld [smem:$0x3F98];
	s0 =	simm.s32 @p1 $0x1  }
0x15: {  	[smem:$0x3FB5] =	sst s0;
	s0 =	simm.s32 @!p2 $0x0  }
0x16: {  	s3 =	sld [smem:$0x3FDB];
	s0 =	simm.s32 @p2 $0x1  }
0x17: {  	s4 =	simm.s32 $0x1BF5;
	[smem:$0x3FB7] =	sst s0  }
0x18: {  	s0 =	sld [smem:$0x3F9A];
	_ =	swait.ge [sflag:s4], $0x0  }
0x19: {  	s7 =	sld [smem:$0x3F9B]  }
0x1a: {  	s8 =	sadd.s32 $0xFFFFE003, lr  }
0x1b: {  	s9 =	sadd.s32 $0xFFFFFEF7, lr;
	s5 =	simm.s32 $0xFFFFFFFF;
	p2 =	slt.u32 s8, $0xFFFFF086  }
0x1c: {  	p1 =	slt.u32 s9, $0xF7A;
	s5 =	simm.s32 @!p2 $0x0  }
0x1d: {  	s5 =	simm.s32 @p1 $0x1;
	p0 =	seq.s32 s7, s2  }
0x1e: {  	s7 =	smul.u32 @!p0 $0xF7A, s2;
	p2 =	seq.s32 @!p0 s5, $0x0  }
0x1f: {  	s9 =	smul.u32 $0xF7A, s1;
	s8 =	simm.s32 @!p0 $0x1BF5;
	p2 =	por !p2, p0  }
0x20: {  	[sflag:s8] =	ssyncset.s32 @!p0 $0xFFFFF086;
	s6 =	sadd.s32 @!p0 s3, s7;
	s7 =	simm.s32 @!p0 $0x108  }
0x21: {  	s3 =	sadd.s32 s3, s9;
	s6 =	sadd.s32 @!p0 $0x88, s6;
	s7 =	simm.s32 @p2 $0x1082  }
0x22: {  	[simem:s7], [sflag:s8] =	dma.local @!p0 [hbm:s6], $0xF7A  }
0x23: {  	s9 =	sor.u32 $0xD0000000, s2;
	s6 =	simm.s32 $0x108;
	_ =	swait.ge @!p0 [sflag:s8], $0x0  }
0x24: {  	s3 =	sadd.s32 $0x88, s3;
	s6 =	simm.s32 @!p1 $0x1082;
	[sflag:s4] =	ssyncset.s32 $0xFFFFF086  }
0x25: {  	[simem:s6], [sflag:s4] =	dma.local [hbm:s3], $0xF7A  }
0x26: {  	[smem:$0x3F9B] =	sst s1;
	(tag) =	ssettag s2;
	_ =	strace s9  }
0x27: {  	s1 =	sld [smem:$0x3FAB]  }
0x28: {  	s2 =	sld [smem:$0x3FAC]  }
0x29: {  	s4 =	sld [smem:$0x3FAE]  }
0x2a: {  	p0 =	seq.s32 s5, $0x0;
	s5 =	sld [smem:$0x3FAF]  }
0x2b: {  	s6 =	sld [smem:$0x3FB0]  }
0x2c: {  	s7 =	sld [smem:$0x3FB1]  }
0x2d: {  	s3 =	simm.s32 $0x108;
	s8 =	sld [smem:$0x3FB2]  }
0x2e: {  	s3 =	simm.s32 @!p0 $0x1082;
	s9 =	sld [smem:$0x3FB3]  }
0x2f: {  	lr =	sadd.s32 s0, s3;
	s0 =	sld [smem:$0x3FAA]  }
0x30: {  	s3 =	sld [smem:$0x3FAD]  }
0x31: {  	[smem:$0x3FB6] =	sst s10  }
0x32: {  	s10 =	sld [smem:$0x3FB4];
	_ =	sdelay $0x3  }
0x33: {  	p0 =	seq.s32 s10, $0x1;
	s10 =	sld [smem:$0x3FB6];
	_ =	sdelay $0x3  }
0x34: {  	[smem:$0x3FB6] =	sst s10  }
0x35: {  	s10 =	sld [smem:$0x3FB5];
	_ =	sdelay $0x3  }
0x36: {  	p1 =	seq.s32 s10, $0x1;
	s10 =	sld [smem:$0x3FB6];
	_ =	sdelay $0x3  }
0x37: {  	[smem:$0x3FB6] =	sst s10  }
0x38: {  	s10 =	sld [smem:$0x3FB7]  }
0x39: {  	_ = 	snop;
	(pc) =	sbr.ind lr, $3  }
0x3a: {  	_ = 	snop  }
0x3b: {  	_ = 	snop  }
0x3c: {  	p2 =	seq.s32 s10, $0x1;
	s10 =	sld [smem:$0x3FB6]  }
0x3d: {  	_ =	shalt  }
0x3e: {  	_ =	shalt  }
0x3f: {  	_ =	shalt  }
0x40: {  	_ =	shalt  }
0x41: {  	_ =	shalt  }
0x42: {  	_ =	shalt  }
0x43: {  	_ =	shalt  }
0x44: {  	_ =	shalt  }
0x45: {  	_ =	shalt  }
0x46: {  	_ =	shalt  }
0x47: {  	_ =	shalt  }
0x48: {  	_ =	shalt  }
0x49: {  	_ =	shalt  }
0x4a: {  	_ =	shalt  }
0x4b: {  	_ =	shalt  }
0x4c: {  	_ =	shalt  }
0x4d: {  	_ =	shalt  }
0x4e: {  	_ =	shalt  }
0x4f: {  	_ =	shalt  }
0x50: {  	_ =	shalt  }
0x51: {  	_ =	shalt  }
0x52: {  	_ =	shalt  }
0x53: {  	_ =	shalt  }
0x54: {  	_ =	shalt  }
0x55: {  	_ =	shalt  }
0x56: {  	_ =	shalt  }
0x57: {  	_ =	shalt  }
0x58: {  	_ =	shalt  }
0x59: {  	_ =	shalt  }
0x5a: {  	_ =	shalt  }
0x5b: {  	_ =	shalt  }
0x5c: {  	_ =	shalt  }
0x5d: {  	_ =	shalt  }
0x5e: {  	_ =	shalt  }
0x5f: {  	_ =	shalt  }
0x60: {  	_ =	shalt  }
0x61: {  	_ =	shalt  }
0x62: {  	_ =	shalt  }
0x63: {  	_ =	shalt  }
0x64: {  	_ =	shalt  }
0x65: {  	_ =	shalt  }
0x66: {  	_ =	shalt  }
0x67: {  	_ =	shalt  }
0x68: {  	_ =	shalt  }
0x69: {  	_ =	shalt  }
0x6a: {  	_ =	shalt  }
0x6b: {  	_ =	shalt  }
0x6c: {  	_ =	shalt  }
0x6d: {  	_ =	shalt  }
0x6e: {  	_ =	shalt  }
0x6f: {  	_ =	shalt  }
0x70: {  	_ =	shalt  }
0x71: {  	_ =	shalt  }
0x72: {  	_ =	shalt  }
0x73: {  	_ =	shalt  }
0x74: {  	_ =	shalt  }
0x75: {  	_ =	shalt  }
0x76: {  	_ =	shalt  }
0x77: {  	_ =	shalt  }
0x78: {  	_ =	shalt  }
0x79: {  	_ =	shalt  }
0x7a: {  	_ =	shalt  }
0x7b: {  	_ =	shalt  }
0x7c: {  	_ =	shalt  }
0x7d: {  	_ =	shalt  }
0x7e: {  	_ =	shalt  }
0x7f: {  	_ =	shalt  }
0x80: {  	_ =	shalt  }
0x81: {  	_ =	shalt  }
0x82: {  	_ =	shalt  }
0x83: {  	_ =	shalt  }
0x84: {  	_ =	shalt  }
0x85: {  	_ =	shalt  }
0x86: {  	_ =	shalt  }
0x87: {  	_ =	shalt  }
.Lfunc_end0:
.L_simem_size_0:
called_computation_lowered:
.L_overlay_start_0:
0x88: {  	s2 =	sld [smem:$0x3FD9]  }
0x89: {  	s3 =	sld [smem:$0x3FFE];
	_ =	sdelay $0x1  }
0x8a: {  	s1 =	srdreg.scid  }
0x8b: {  	s0 =	sand.u32 $0x1, s1  }
0x8c: {  	s14 =	sshll.u32 s0, $0xA;
	s2 =	sadd.s32 s3, s2  }
0x8d: {  	s2 =	sadd.s32 s2, s14  }
0x8e: {  	[smem:$0x3FC2] =	sst s2  }
0x8f: {  	_ = 	snop  }
0x90: {  	s2 =	sld [smem:$0x3FD0];
	_ =	sdelay $0x1  }
0x91: {  	s15 =	sld [smem:$0x3FC9]  }
0x92: {  	s5 =	simm.s32 $0xA;
	s6 =	simm.s32 $0x10;
	s4 =	sld [smem:$0x3FC7]  }
0x93: {  	[smem:s6], [sflag:s5] =	dma.local [hbm:s2], $0x1  }
0x94: {  	_ =	swait.eq [sflag:s5], $0x1  }
0x95: {  	[sflag:s5] =	ssyncset.done $0x0  }
0x96: {  	s16 =	sld [smem:$0x10];
	[sflag:s5] =	ssyncadd.s32 $0xFFFFFFFF  }
0x97: {  	s17 =	sld [smem:$0x11];
	(tm) =	ssettm $0x1  }
0x98: {  	s18 =	sld [smem:$0x3FFB];
	_ =	sdelay $0x3  }
0x99: {  	_ =	strace s18  }
0x9a: {  	s6 =	sld [smem:$0x3FFC];
	_ =	sdelay $0x3  }
0x9b: {  	_ =	strace s6  }
0x9c: {  	s6 =	sld [smem:$0x3FFD];
	_ =	sdelay $0x3  }
0x9d: {  	_ =	strace s6  }
0x9e: {  	_ =	strace $0x8FFFFFFF  }
0x9f: {  	s19 =	sld [smem:$0x3FDB];
	_ =	sdelay $0x1  }
0xa0: {  	s7 =	simm.s32 $_scs_section_size  }
0xa1: {  	s8 =	simm.s32 $_size__tile_overlayer_lowered;
	s9 =	simm.s32 $_tile_overlayer_lowered  }
0xa2: {  	s22 =	simm.s32 $0x1BFF;
	s21 =	sshll.u32 s9, $0x1;
	s6 =	sadd.s32 s7, s19  }
0xa3: {  	s10 =	simm.s32 $0x0;
	s20 =	sshll.u32 s8, $0x1;
	s8 =	sadd.s32 s21, s6  }
0xa4: {  	[timem:s10], [sflag:s22] =	dma.local [hbm:s8], s20  }
0xa5: {  	_ =	swait.ge [sflag:s22], s20  }
0xa6: {  	s7 =	ssub.s32 $0x0, s20;
	[sflag:s22] =	ssyncset.done $0x0  }
0xa7: {  	[sflag:s22] =	ssyncadd.s32 s7;
	_ =	sdelay $0x1  }
0xa8: {  	s23 =	simm.s32 $0x1B8B  }
0xa9: {  	_ =	swait.ge [sflag:s23], $0x1  }
0xaa: {  	[sflag:s23] =	ssyncset.done $0x0  }
0xab: {  	s25 =	simm.s32 $0x1B8E;
	s24 =	sld [smem:$0x3FFE];
	[sflag:s23] =	ssyncadd.s32 $0xFFFFFFFF  }
0xac: {  	s26 =	simm.s32 $execute0_lowered;
	[smem:$0x3FD2] =	sst s25  }
0xad: {  	s8 =	sshll.u32 s26, $0x1;
	_ =	strace $0x80000046;
	[dreg:$0x1] =	wrdreg $0xFFFFFFFF  }
0xae: {  	s28 =	simm.s32 $_size_execute0_lowered;
	s6 =	sadd.s32 s6, s8;
	[dreg:$0x0] =	wrdreg $0x0  }
0xaf: {  	s8 =	sshll.u32 s28, $0x1;
	[dreg:$0x2] =	wrdreg s6  }
0xb0: {  	[dreg:$0x3] =	wrdreg s8  }
0xb1: {  	[dreg:$0x4] =	wrdreg $0xC0  }
0xb2: {  	_ =	task [dreg:s10], $0x5FFFF  }
0xb3: {  	[dreg:$0x1] =	wrdreg $0xFFFFFFFF  }
0xb4: {  	[dreg:$0x0] =	wrdreg $0x60  }
0xb5: {  	[dreg:$0x2] =	wrdreg s24  }
0xb6: {  	[dreg:$0x3] =	wrdreg s15  }
0xb7: {  	[dreg:$0x4] =	wrdreg s17  }
0xb8: {  	[dreg:$0x5] =	wrdreg s4  }
0xb9: {  	[dreg:$0x6] =	wrdreg s16  }
0xba: {  	[dreg:$0x7] =	wrdreg $0x9  }
0xbb: {  	_ =	task.clear_ibuf [dreg:s10], $0x8FFFF;
	_ =	strace $0x90000046  }
0xbc: {  	s29 =	simm.s32 $0x9;
	_ =	strace $0x80000048  }
0xbd: {  	_ =	swait.ge [sflag:s29], $0x1  }
0xbe: {  	[sflag:s29] =	ssyncadd.s32 $0xFFFFFFFF  }
0xbf: {  	_ =	strace $0x90000048  }
0xc0: {  	_ =	sfence  }
0xc1: {  	s30 =	sld [smem:$0x0];
	_ =	sdelay $0x2  }
0xc2: {  	s31 =	sshll.u32 s1, $0xD;
	s1 =	sshrl.u32 s1, $0x2  }
0xc3: {  	s3 =	sand.u32 $0x4000, s31;
	s1 =	sadd.s32 s1, s30  }
0xc4: {  	s0 =	sor.u32 s3, s0;
	s1 =	sshll.u32 s1, $0x11  }
0xc5: {  	s0 =	sor.u32 s1, s0  }
0xc6: {  	s0 =	sadd.s32 $0x8F2B, s0  }
0xc7: {  	[sflag:s0] =	ssyncadd.remote.s32 $0x1  }
0xc8: {  	_ =	sfence.sel $0xFFFF  }
0xc9: {  	[dreg:$0x0] =	wrdreg $0xFFFFFFFF;
	(pc) =	sbr.abs _section_cstart, $3  }
0xca: {  	[dreg:$0x1] =	wrdreg $0xFFFFFFFF  }
0xcb: {  	_ =	task.clear_ibuf [dreg:s10], $0x2FFFF;
	_ =	strace $0x9FFFFFFF  }
0xcc: {  	(tm) =	ssettm $0x7FFFFFFF  }
0xcd: {  	_ =	shalt  }
tec
execute0_lowered:
.L_overlay_start_1:
0x0: {  	(tag) =	ssettag $0x1  }
0x1: {  	s0 =	rddreg [dreg:$0x0]  }
0x2: {  	s1 =	rddreg [dreg:$0x1]  }
0x3: {  	s2 =	rddreg [dreg:$0x2]  }
0x4: {  	s3 =	rddreg [dreg:$0x3]  }
0x5: {  	s5 =	rddreg [dreg:$0x4];
	s4 =	simm.s32 $0x0;
	s7 =	srdreg.scid  }
0x6: {  	s31 =	stileid.u32;
	s22 =	simm.s32 $0x4;
	s23 =	simm.s32 $0x1  }
0x7: {  	s24 =	simm.s32 $0x10480;
	s25 =	simm.s32 $0x10C80;
	s26 =	simm.s32 $0x0  }
0x8: {  	[smem:$0x7FF] =	sst s4;
	s6 =	sadd.s32 $0xC00, s0;
	s7 =	sand.u32 $0x1, s7  }
0x9: {  	s8 =	sshll.u32 s31, $0xA;
	_ =	strace $0x80000047;
	[dreg:$0x6] =	wrdreg s6  }
0xa: {  	s9 =	ssub.s32 $0x2, s7;
	s10 =	sshll.u32 s7, $0x9;
	s7 =	sadd.s32 $0xE00, s0  }
0xb: {  	s0 =	sadd.s32 $0x7000, s0;
	s11 =	sshrl.u32 s9, $0x1;
	s8 =	sor.u32 s10, s8  }
.Ltmp0:
0xc: {  	s17 =	ssub.s32 s9, s11;
	s13 =	sshll.u32 s8, $0x4;
	(pc) =	sbr.rel .LBB2_1-.Ltmp0, $4  }
0xd: {  	s15 =	sshrl.u32 s8, $0x3;
	s9 =	sadd.s32 s1, s13;
	s14 =	sor.u32 $0x1000, s13  }
0xe: {  	s11 =	sadd.s32 s2, s15;
	s16 =	sor.u32 $0x800, s15;
	s13 =	sadd.s32 s5, s13  }
0xf: {  	v0 =	vlaneseq.u32;
	s15 =	sadd.s32 s0, s15;
	s17 =	smax.u32 s17, $0x1;
	s10 =	sadd.s32 s1, s14  }
0x10: {  	vm0 =	vmmov $0xffff;
	v1 =	vor.u32 $0x186A0, v0;
	s12 =	sadd.s32 s2, s16;
	s14 =	sadd.s32 s5, s14;
	s16 =	sadd.s32 s0, s16  }
.LBB2_6:
0x11: {  	s0 =	simm.s32 @!p0 $0x0;
	s5 =	simm.s32 @!p0 $0x80  }
0x12: {  	[hbm4b:s13+s0] =	stream.linear.scatter @!p0 [tilespmem:s5], [sflag:$0x4], $0x10000, $0x38;
	[tilespmem:$0x10D00] =	vst v63  }
0x13: {  	s5 =	simm.s32 @!p0 $0x4  }
0x14: {  	_ =	swait.ge @!p0 [sflag:s5], $0x10000  }
0x15: {  	[sflag:s5] =	ssyncset.done @!p0 $0x0  }
0x16: {  	s6 =	simm.s32 @!p0 $0x10080;
	[sflag:s5] =	ssyncadd.s32 @!p0 $0xFFFF0000  }
0x17: {  	[hbm4b:s15+s0] =	stream.linear.scatter @!p0 [tilespmem:s6], [sflag:$0x4], $0x200, $0x38;
	[tilespmem:$0x10D00] =	vst v63  }
0x18: {  	s26 =	sadd.s32 $0x1, s26;
	_ =	swait.ge @!p0 [sflag:s5], $0x200  }
0x19: {  	p1 =	sne.s32 s26, s17;
	[sflag:s5] =	ssyncset.done @!p0 $0x0  }
.Ltmp1:
0x1a: {  	s6 =	simm.s32 @!p0 $0x10280;
	[sflag:s5] =	ssyncadd.s32 @!p0 $0xFFFFFE00;
	(pc) =	sbr.rel @!p1 .LBB2_7-.Ltmp1, $4  }
0x1b: {  	[hbm4b:s16+s0] =	stream.linear.scatter @!p0 [tilespmem:s6], [sflag:$0x4], $0x200, $0x38;
	[tilespmem:$0x10D00] =	vst v63  }
0x1c: {  	_ =	swait.ge @!p0 [sflag:s5], $0x200  }
0x1d: {  	[sflag:s5] =	ssyncset.done @!p0 $0x0  }
0x1e: {  	[sflag:s5] =	ssyncadd.s32 @!p0 $0xFFFFFE00  }
.LBB2_1:
0x1f: {  	s0 =	simm.s32 $0x80  }
0x20: {  	[tilespmem:s0], [sflag:$0x1] =	stream.linear.gather [hbm4b:s9+s4], $0x8000, $0x38;
	[tilespmem:$0x10D00] =	vst v63  }
0x21: {  	s19 =	simm.s32 $0x8080  }
0x22: {  	[tilespmem:s19], [sflag:$0x2] =	stream.linear.gather [hbm4b:s10+s4], $0x8000, $0x38;
	[tilespmem:$0x10D00] =	vst v63  }
0x23: {  	s20 =	simm.s32 $0x10080  }
0x24: {  	[tilespmem:s20], [sflag:$0x3] =	stream.linear.gather [hbm4b:s11+s4], $0x200, $0x38;
	[tilespmem:$0x10D00] =	vst v63  }
0x25: {  	s21 =	simm.s32 $0x10280  }
0x26: {  	[tilespmem:s21], [sflag:$0x3] =	stream.linear.gather [hbm4b:s12+s4], $0x200, $0x38;
	[tilespmem:$0x10D00] =	vst v63  }
0x27: {  	s5 =	rddreg [dreg:$0x6]  }
0x28: {  	[tilespmem:s4], [sflag:$0x4] =	stream.linear.gather [hbm4b:s5+s4], $0x80, $0x38;
	[tilespmem:$0x10D00] =	vst v63  }
0x29: {  	_ =	swait.ge [sflag:s22], $0x80  }
0x2a: {  	[sflag:s22] =	ssyncset.done $0x0  }
0x2b: {  	[sflag:s22] =	ssyncadd.s32 $0xFFFFFF80  }
0x2c: {  	v2 =	vld [tilespmem:$0x0];
	_ =	sdelay $0x4  }
0x2d: {  	(v2sf) =	vpush v2, $0x0  }
0x2e: {  	(v2sf) =	vpush v2, $0x1;
	_ =	sdelay $0xd  }
0x2f: {  	s28 =	spop (v2sf)  }
0x30: {  	s31 =	spop (v2sf)  }
0x31: {  	p1 =	sne.s32 s28, s31  }
0x32: {  	s0 =	simm.s32 @!p1 $0x1  }
0x33: {  	_ =	swait.ge @!p1 [sflag:s0], $0x8000  }
0x34: {  	[sflag:s0] =	ssyncset.done @!p1 $0x0  }
0x35: {  	s5 =	simm.s32 @!p1 $0x0;
	s18 =	simm.s32 @!p1 $0x80;
	[sflag:s0] =	ssyncadd.s32 @!p1 $0xFFFF8000  }
0x36: {  	[hbm4b:s13+s5] =	stream.linear.scatter @!p1 [tilespmem:s18], [sflag:$0x1], $0x8000, $0x38;
	[tilespmem:$0x10D00] =	vst v63  }
0x37: {  	s18 =	simm.s32 @!p1 $0x2  }
0x38: {  	_ =	swait.ge @!p1 [sflag:s18], $0x8000  }
0x39: {  	[sflag:s18] =	ssyncset.done @!p1 $0x0  }
0x3a: {  	s19 =	simm.s32 @!p1 $0x8080;
	[sflag:s18] =	ssyncadd.s32 @!p1 $0xFFFF8000  }
0x3b: {  	[hbm4b:s14+s5] =	stream.linear.scatter @!p1 [tilespmem:s19], [sflag:$0x2], $0x8000, $0x38;
	[tilespmem:$0x10D00] =	vst v63  }
0x3c: {  	s19 =	simm.s32 @!p1 $0x3  }
0x3d: {  	_ =	swait.ge @!p1 [sflag:s19], $0x200  }
0x3e: {  	[sflag:s19] =	ssyncset.done @!p1 $0x0  }
0x3f: {  	[sflag:s19] =	ssyncadd.s32 @!p1 $0xFFFFFE00  }
0x40: {  	_ =	swait.ge @!p1 [sflag:s19], $0x200  }
0x41: {  	[sflag:s19] =	ssyncset.done @!p1 $0x0  }
0x42: {  	s20 =	simm.s32 @!p1 $0x10080;
	[sflag:s19] =	ssyncadd.s32 @!p1 $0xFFFFFE00  }
0x43: {  	[hbm4b:s15+s5] =	stream.linear.scatter @!p1 [tilespmem:s20], [sflag:$0x3], $0x200, $0x38;
	[tilespmem:$0x10D00] =	vst v63  }
0x44: {  	s20 =	simm.s32 @!p1 $0x10280  }
0x45: {  	[hbm4b:s16+s5] =	stream.linear.scatter @!p1 [tilespmem:s20], [sflag:$0x3], $0x200, $0x38;
	[tilespmem:$0x10D00] =	vst v63  }
0x46: {  	_ =	swait.ge @!p1 [sflag:s0], $0x8000  }
0x47: {  	[sflag:s0] =	ssyncset.done @!p1 $0x0  }
0x48: {  	[sflag:s0] =	ssyncadd.s32 @!p1 $0xFFFF8000  }
0x49: {  	_ =	swait.ge @!p1 [sflag:s18], $0x8000  }
0x4a: {  	[sflag:s18] =	ssyncset.done @!p1 $0x0  }
0x4b: {  	[sflag:s18] =	ssyncadd.s32 @!p1 $0xFFFF8000  }
0x4c: {  	_ =	swait.ge @!p1 [sflag:s19], $0x200  }
0x4d: {  	[sflag:s19] =	ssyncset.done @!p1 $0x0  }
0x4e: {  	[sflag:s19] =	ssyncadd.s32 @!p1 $0xFFFFFE00  }
0x4f: {  	_ =	swait.ge @!p1 [sflag:s19], $0x200  }
0x50: {  	p0 =	seq.s32 s28, s31;
	[sflag:s19] =	ssyncset.done @!p1 $0x0  }
0x51: {  	s0 =	simm.s32 @!p0 $0x1;
	[sflag:s19] =	ssyncadd.s32 @!p1 $0xFFFFFE00  }
0x52: {  	s30 =	sadd.s32 $0x4000, s28;
	s29 =	sadd.s32 s8, s31;
	_ =	swait.ge @!p0 [sflag:s0], $0x8000  }
0x53: {  	p2 =	sge.s32 s29, s28;
	s6 =	sadd.s32 $0x200, s29;
	[sflag:s0] =	ssyncset.done @!p0 $0x0  }
0x54: {  	p3 =	sle.s32 s6, s30;
	[sflag:s0] =	ssyncadd.s32 @!p0 $0xFFFF8000;
	s0 =	simm.s32 @!p0 $0x2  }
0x55: {  	p2 =	por !p2, !p3;
	s18 =	ssub.s32 s29, s28;
	_ =	swait.ge @!p0 [sflag:s0], $0x8000  }
0x56: {  	p2 =	por !p2, !p2;
	s20 =	sand.u32 $0x1FF, s18;
	[sflag:s0] =	ssyncset.done @!p0 $0x0  }
0x57: {  	p4 =	seq.s32 s20, $0x0;
	[sflag:s0] =	ssyncadd.s32 @!p0 $0xFFFF8000;
	s0 =	simm.s32 @!p0 $0x3  }
0x58: {  	p2 =	por !p2, !p4;
	_ =	swait.ge @!p0 [sflag:s0], $0x200  }
0x59: {  	p2 =	por !p2, !p2;
	[sflag:s0] =	ssyncset.done @!p0 $0x0  }
0x5a: {  	p1 =	por !p1, !p2;
	[sflag:s0] =	ssyncadd.s32 @!p0 $0xFFFFFE00  }
0x5b: {  	p1 =	por !p1, !p1;
	_ =	swait.ge @!p0 [sflag:s0], $0x200  }
0x5c: {  	p2 =	por !p1, p0;
	[sflag:s0] =	ssyncset.done @!p0 $0x0  }
0x5d: {  	[sflag:s0] =	ssyncadd.s32 @!p0 $0xFFFFFE00;
	s0 =	sshll.u32 @!p2 s18, $0x4  }
0x5e: {  	s19 =	simm.s32 @!p2 $0x0;
	s20 =	simm.s32 @!p2 $0x80;
	s0 =	sadd.s32 @!p2 s1, s0  }
0x5f: {  	[tilespmem:s20], [sflag:$0x4] =	stream.linear.gather @!p2 [hbm4b:s0+s19], $0x10000, $0x38;
	[tilespmem:$0x10D00] =	vst v63  }
0x60: {  	s0 =	simm.s32 @!p2 $0x4  }
0x61: {  	p5 =	sle.s32 s6, s28;
	p4 =	sge.s32 s29, s30;
	_ =	swait.ge @!p2 [sflag:s0], $0x10000  }
0x62: {  	s21 =	simm.s32 @!p2 $0x10080;
	s20 =	sshrl.u32 @!p2 s18, $0x3;
	[sflag:s0] =	ssyncset.done @!p2 $0x0  }
0x63: {  	s18 =	sadd.s32 @!p2 $0x4000, s18;
	s20 =	sadd.s32 @!p2 s2, s20;
	[sflag:s0] =	ssyncadd.s32 @!p2 $0xFFFF0000  }
0x64: {  	[tilespmem:s21], [sflag:$0x4] =	stream.linear.gather @!p2 [hbm4b:s20+s19], $0x200, $0x38;
	[tilespmem:$0x10D00] =	vst v63  }
0x65: {  	p3 =	por p4, p5;
	s5 =	sshrl.u32 @!p2 s18, $0x3;
	_ =	swait.ge @!p2 [sflag:s0], $0x200  }
0x66: {  	s18 =	simm.s32 @!p2 $0x10280;
	s21 =	sand.u32 $0x1FF, s31;
	[sflag:s0] =	ssyncset.done @!p2 $0x0  }
0x67: {  	s5 =	sadd.s32 @!p2 s2, s5;
	p6 =	seq.s32 s21, $0x0;
	[sflag:s0] =	ssyncadd.s32 @!p2 $0xFFFFFE00  }
0x68: {  	[tilespmem:s18], [sflag:$0x4] =	stream.linear.gather @!p2 [hbm4b:s5+s19], $0x200, $0x38;
	[tilespmem:$0x10D00] =	vst v63  }
0x69: {  	p3 =	por !p6, !p3;
	_ =	swait.ge @!p2 [sflag:s0], $0x200  }
0x6a: {  	p3 =	por !p3, !p3;
	[sflag:s0] =	ssyncset.done @!p2 $0x0  }
0x6b: {  	[sflag:s0] =	ssyncadd.s32 @!p2 $0xFFFFFE00;
	s0 =	sshll.u32 @p3 s29, $0x4  }
0x6c: {  	s5 =	simm.s32 @p3 $0x0;
	s18 =	simm.s32 @p3 $0x80;
	s0 =	sadd.s32 @p3 s3, s0  }
0x6d: {  	[tilespmem:s18], [sflag:$0x4] =	stream.linear.gather @p3 [hbm4b:s0+s5], $0x10000, $0x38;
	[tilespmem:$0x10D00] =	vst v63  }
0x6e: {  	s0 =	simm.s32 @p3 $0x4  }
0x6f: {  	_ =	swait.ge @p3 [sflag:s0], $0x10000  }
0x70: {  	s19 =	simm.s32 @p3 $0x10080;
	s18 =	sshrl.u32 @p3 s29, $0x3;
	[sflag:s0] =	ssyncset.done @p3 $0x0  }
0x71: {  	p1 =	por p3, p1;
	s18 =	sadd.s32 @p3 s7, s18;
	[sflag:s0] =	ssyncadd.s32 @p3 $0xFFFF0000  }
0x72: {  	[tilespmem:s19], [sflag:$0x4] =	stream.linear.gather @p3 [hbm4b:s18+s5], $0x200, $0x38;
	[tilespmem:$0x10D00] =	vst v63  }
0x73: {  	p1 =	por p0, p1;
	s18 =	sadd.s32 @p3 $0x186A0, s29;
	_ =	swait.ge @p3 [sflag:s0], $0x200  }
0x74: {  	s19 =	simm.s32 @p3 $0x10280;
	s18 =	sshrl.u32 @p3 s18, $0x3;
	[sflag:s0] =	ssyncset.done @p3 $0x0  }
.Ltmp2:
0x75: {  	s18 =	sadd.s32 @p3 s7, s18;
	[sflag:s0] =	ssyncadd.s32 @p3 $0xFFFFFE00;
	(pc) =	sbr.rel @p1 .LBB2_6-.Ltmp2, $4  }
0x76: {  	[tilespmem:s19], [sflag:$0x4] =	stream.linear.gather @p3 [hbm4b:s18+s5], $0x200, $0x38;
	[tilespmem:$0x10D00] =	vst v63  }
0x77: {  	_ =	swait.ge @p3 [sflag:s0], $0x200  }
0x78: {  	[sflag:s0] =	ssyncset.done @p3 $0x0  }
0x79: {  	[sflag:s0] =	ssyncadd.s32 @p3 $0xFFFFFE00  }
0x7a: {  	s20 =	sadd.s32 s31, s8  }
0x7b: {  	v2 =	vbroadcast v2, $0x0;
	v3 =	vmov s30;
	s0 =	simm.s32 $0x0;
	s5 =	simm.s32 $0x80;
	s18 =	simm.s32 $0x0  }
.LBB2_3:
0x7c: {  	s19 =	sshll.u32 s18, $0x4  }
0x7d: {  	s21 =	sadd.s32 s29, s19  }
0x7e: {  	v4 =	vadd.s32 s21, v0  }
0x7f: {  	v5 =	vsub.s32 v4, v2  }
0x80: {  	vm1 =	vgt.s32 v5, $0x0  }
0x81: {  	v5 =	vnsel vm1, $0x0, v5  }
0x82: {  	v5 =	vmin.u32 v5, $0x3FFF;
	_ =	sdelay $0x1  }
0x83: {  	s31 =	sshll.u32 s18, $0xB  }
0x84: {  	s31 =	sand.u32 $0x3FFFF800, s31  }
0x85: {  	s31 =	sor.u32 $0x80, s31  }
0x86: {  	[tilespmem:s31], [sflag:$0x1] =	stream.indirect_vreg.gather [hbm4b:s1+s0], $0x80, v5, vm0, $0xb8;
	[tilespmem:$0x10D00] =	vst v63  }
0x87: {  	_ =	swait.ge [sflag:s23], $0x800  }
0x88: {  	[sflag:s23] =	ssyncset.done $0x0  }
0x89: {  	[sflag:s23] =	ssyncadd.s32 $0xFFFFF800  }
0x8a: {  	[tilespmem:s24], [sflag:$0x1] =	stream.indirect_vreg.gather [hbm4b:s3+s0], $0x80, v4, vm0, $0xb8;
	[tilespmem:$0x10D00] =	vst v63  }
0x8b: {  	_ =	swait.ge [sflag:s23], $0x800  }
0x8c: {  	[sflag:s23] =	ssyncset.done $0x0  }
0x8d: {  	v7 =	vmov s5;
	v6 =	vmov s21;
	s21 =	simm.s32 $0x0;
	s31 =	smov.u32 s20;
	[sflag:s23] =	ssyncadd.s32 $0xFFFFF800  }
.LBB2_4:
0x8e: {  	p1 =	slt.s32 s31, s28  }
0x8f: {  	p2 =	slt.s32 @!p1 s31, s30  }
0x90: {  	p1 =	por p1, !p2  }
0x91: {  	s6 =	sshra.s32 @p1 s21, $0x2  }
0x92: {  	v8 =	vld @p1 [tilespmem:s6+$0x10480];
	_ =	sdelay $0x4  }
0x93: {  	[tilespmem:v7+s6+$0x0 ss:$0x1] =	vst.idx.msk @p1 $0xffff, v8  }
0x94: {  	v8 =	vld @p1 [tilespmem:s6+$0x10490];
	_ =	sdelay $0x4  }
0x95: {  	[tilespmem:v7+s6+$0x10 ss:$0x1] =	vst.idx.msk @p1 $0xffff, v8  }
0x96: {  	v8 =	vld @p1 [tilespmem:s6+$0x104A0];
	_ =	sdelay $0x4  }
0x97: {  	[tilespmem:v7+s6+$0x20 ss:$0x1] =	vst.idx.msk @p1 $0xffff, v8  }
0x98: {  	v8 =	vld @p1 [tilespmem:s6+$0x104B0];
	_ =	sdelay $0x4  }
0x99: {  	[tilespmem:v7+s6+$0x30 ss:$0x1] =	vst.idx.msk @p1 $0xffff, v8  }
0x9a: {  	v8 =	vld @p1 [tilespmem:s6+$0x104C0];
	_ =	sdelay $0x4  }
0x9b: {  	[tilespmem:v7+s6+$0x40 ss:$0x1] =	vst.idx.msk @p1 $0xffff, v8  }
0x9c: {  	v8 =	vld @p1 [tilespmem:s6+$0x104D0];
	_ =	sdelay $0x4  }
0x9d: {  	[tilespmem:v7+s6+$0x50 ss:$0x1] =	vst.idx.msk @p1 $0xffff, v8  }
0x9e: {  	v8 =	vld @p1 [tilespmem:s6+$0x104E0];
	_ =	sdelay $0x4  }
0x9f: {  	[tilespmem:v7+s6+$0x60 ss:$0x1] =	vst.idx.msk @p1 $0xffff, v8  }
0xa0: {  	v8 =	vld @p1 [tilespmem:s6+$0x104F0];
	_ =	sdelay $0x3  }
0xa1: {  	s21 =	sadd.s32 $0x200, s21  }
0xa2: {  	[tilespmem:v7+s6+$0x70 ss:$0x1] =	vst.idx.msk @p1 $0xffff, v8;
	p1 =	sne.s32 s21, $0x2000  }
.Ltmp3:
0xa3: {  	_ = 	snop;
	(pc) =	sbr.rel @p1 .LBB2_4-.Ltmp3, $2  }
0xa4: {  	_ =	sdelay $0x2  }
0xa5: {  	s31 =	sadd.s32 $0x1, s31  }
0xa6: {  	_ =	sdelay $0x2  }
0xa7: {  	s6 =	sadd.s32 $0x10080, s19  }
0xa8: {  	[tilespmem:s6], [sflag:$0x1] =	stream.indirect_vreg.gather [hbm4b:s2+s4], $0x1, v5, vm0, $0xb8;
	[tilespmem:$0x10D00] =	vst v63  }
0xa9: {  	_ =	swait.ge [sflag:s23], $0x10  }
0xaa: {  	[sflag:s23] =	ssyncset.done $0x0  }
0xab: {  	[sflag:s23] =	ssyncadd.s32 $0xFFFFFFF0  }
0xac: {  	[tilespmem:s25], [sflag:$0x1] =	stream.indirect_vreg.gather [hbm4b:s7+s4], $0x1, v4, vm0, $0xb8;
	[tilespmem:$0x10D00] =	vst v63  }
0xad: {  	_ =	swait.ge [sflag:s23], $0x10  }
0xae: {  	[sflag:s23] =	ssyncset.done $0x0  }
0xaf: {  	[sflag:s23] =	ssyncadd.s32 $0xFFFFFFF0  }
0xb0: {  	v7 =	vld [tilespmem:s19+$0x10080]  }
0xb1: {  	v8 =	vld [tilespmem:$0x10C80];
	_ =	sdelay $0x1  }
0xb2: {  	v5 =	vor.u32 $0x4000, v5  }
0xb3: {  	vm1 =	vge.s32 v4, v2;
	vm2 =	vlt.s32 v4, v3  }
0xb4: {  	vm1 =	vmand vm1, vm2  }
0xb5: {  	v4 =	vsel vm1, v7, v8  }
0xb6: {  	s31 =	sadd.s32 $0x10280, s19;
	[tilespmem:s19+$0x10080] =	vst v4;
	v4 =	vadd.s32 v1, v6  }
0xb7: {  	[tilespmem:s31], [sflag:$0x1] =	stream.indirect_vreg.gather [hbm4b:s2+s4], $0x1, v5, vm0, $0xb8;
	[tilespmem:$0x10D00] =	vst v63  }
0xb8: {  	_ =	swait.ge [sflag:s23], $0x10  }
0xb9: {  	[sflag:s23] =	ssyncset.done $0x0  }
0xba: {  	[sflag:s23] =	ssyncadd.s32 $0xFFFFFFF0  }
0xbb: {  	[tilespmem:s25], [sflag:$0x1] =	stream.indirect_vreg.gather [hbm4b:s7+s4], $0x1, v4, vm0, $0xb8;
	[tilespmem:$0x10D00] =	vst v63  }
0xbc: {  	_ =	swait.ge [sflag:s23], $0x10  }
0xbd: {  	[sflag:s23] =	ssyncset.done $0x0  }
0xbe: {  	[sflag:s23] =	ssyncadd.s32 $0xFFFFFFF0  }
0xbf: {  	v4 =	vld [tilespmem:s19+$0x10280]  }
0xc0: {  	s18 =	sadd.s32 $0x1, s18;
	v5 =	vld [tilespmem:$0x10C80]  }
0xc1: {  	p1 =	sne.s32 s18, $0x20  }
.Ltmp4:
0xc2: {  	_ = 	snop;
	(pc) =	sbr.rel @p1 .LBB2_3-.Ltmp4, $4  }
.Ltmp5:
0xc3: {  	_ = 	snop;
	(pc) =	sbr.rel @!p1 .LBB2_6-.Ltmp5, $4  }
0xc4: {  	_ = 	snop  }
0xc5: {  	v4 =	vsel vm1, v4, v5  }
0xc6: {  	s20 =	sadd.s32 $0x10, s20;
	s5 =	sadd.s32 $0x800, s5;
	[tilespmem:s19+$0x10280] =	vst v4  }
0xc7: {  	_ = 	snop  }
.LBB2_7:
0xc8: {  	_ =	sfence.sel $0x180000  }
0xc9: {  	[bflag:$0x0] =	sbarrier.arrive $0xFFFF  }
0xca: {  	_ =	strace $0x90000047  }
0xcb: {  	s0 =	stileid.u32;
	[bflag:$0x2] =	sbarrier.arrive $0xFFFF  }
0xcc: {  	p0 =	sne.s32 s0, $0x0;
	s0 =	rddreg [dreg:$0x5]  }
0xcd: {  	s0 =	sadd.s32 @!p0 $0x100000, s0  }
0xce: {  	[sflag:s0] =	ssyncadd.tile.s32 @!p0 $0x1;
	_ =	shalt  }
.Lfunc_end2:
_tile_overlayer_lowered:
.L_overlay_start_2:
0xcf: {  	(tag) =	ssettag $0x2  }
0xd0: {  	s0 =	rddreg [dreg:$0x0];
	s2 =	stileid.u32  }
0xd1: {  	s1 =	rddreg [dreg:$0x1];
	p0 =	sne.s32 s2, $0x0  }
0xd2: {  	s3 =	rddreg [dreg:$0x2];
	[bflag:$0x3] =	sbarrier.arrive $0xFFFF;
	s2 =	simm.s32 @!p0 $0x1C04  }
0xd3: {  	[timem:s3], [sflag:s2] =	dma.local @!p0 [hbm:s0], s1  }
0xd4: {  	s0 =	simm.s32 @!p0 $0x4  }
0xd5: {  	_ =	swait.ge @!p0 [sflag:s0], s1  }
0xd6: {  	s1 =	ssub.s32 @!p0 $0x0, s1;
	[sflag:s0] =	ssyncset.done @!p0 $0x0  }
0xd7: {  	[sflag:s0] =	ssyncadd.s32 @!p0 s1  }
0xd8: {  	[bflag:$0x3] =	sbarrier.arrive $0xFFFF  }
0xd9: {  	_ =	shalt  }

</sc_bundles>
